<compile_context>
chip_gen: v7x
topology: tpu7x:2x2x1
jax: 0.10.2.dev20260603
libtpu: 0.0.44.dev20260713+nightly
codegen_flags: <defaults>
</compile_context>

<pallas_src>
import functools

import jax
import jax.numpy as jnp
from jax import lax
from jax.experimental import pallas as pl
from jax.experimental.pallas import tpu as pltpu
from jax.experimental.pallas import tpu_sc as plsc

_E_DIM = 256
_N_EMB = 8192
_N_ROWS = 16384


_BR = 512
_WC = 2816
_NI = _N_ROWS // _BR
_I32_MAX = 2147483647
_WINDOWS = [(w0, min(w0 + _WC, _N_EMB)) for w0 in range(0, _N_EMB, _WC)]


def _argmin_body(x_ref, e_ref, a_ref, b_ref, out_ref, *, precision=None):
    x2 = x_ref[...] * 2.0
    a = a_ref[...]
    run_min = jnp.full((_BR, 1), jnp.inf, jnp.float32)
    run_idx = jnp.zeros((_BR, 1), jnp.int32)
    for (w0, w1) in _WINDOWS:
        wc = w1 - w0
        e = e_ref[:, w0:w1]
        s2 = lax.dot_general(x2, e, (((1,), (0,)), ((), ())),
                             preferred_element_type=jnp.float32,
                             precision=precision)
        b = b_ref[:, w0:w1]
        d = (a + b) - s2
        m = jnp.min(d, axis=1, keepdims=True)
        jidx = lax.broadcasted_iota(jnp.int32, (_BR, wc), 1) + w0
        cand = jnp.where(d == m, jidx, _I32_MAX)
        wi = jnp.min(cand, axis=1, keepdims=True)
        upd = (m < run_min) | ((m == run_min) & (wi < run_idx))
        run_idx = jnp.where(upd, wi, run_idx)
        m_r = m.astype(jnp.bfloat16).astype(jnp.float32)
        run_min = jnp.where(upd, m_r, run_min)
    out_ref[...] = run_idx


def _argmin_indices(flattened, embeddings, a_col, b_row, interpret=False,
                    precision=None):
    return pl.pallas_call(
        functools.partial(_argmin_body, precision=precision),
        grid=(_NI,),
        in_specs=[
            pl.BlockSpec((_BR, _E_DIM), lambda i: (i, 0)),
            pl.BlockSpec((_E_DIM, _N_EMB), lambda i: (0, 0)),
            pl.BlockSpec((_BR, 1), lambda i: (i, 0)),
            pl.BlockSpec((1, _N_EMB), lambda i: (0, 0)),
        ],
        out_specs=pl.BlockSpec((_BR, 1), lambda i: (i, 0)),
        out_shape=jax.ShapeDtypeStruct((_N_ROWS, 1), jnp.int32),
        compiler_params=pltpu.CompilerParams(
            dimension_semantics=("parallel",)),
        interpret=interpret,
    )(flattened, embeddings, a_col, b_row)



_NW = 32
_ROWS_PER_W = _N_ROWS // _NW
_CH = 128
_NCH = _ROWS_PER_W // _CH


def _gather_rows(table, idx3):
    mesh = plsc.VectorSubcoreMesh(core_axis_name="c", subcore_axis_name="s")

    @functools.partial(
        pl.kernel,
        out_type=jax.ShapeDtypeStruct((16, 1024, _E_DIM), jnp.float32),
        mesh=mesh,
        scratch_types=[
            pltpu.VMEM((_NCH, _CH), jnp.int32),
            pltpu.VMEM((_CH, _E_DIM), jnp.float32),
            pltpu.VMEM((_CH, _E_DIM), jnp.float32),
            pltpu.SemaphoreType.DMA,
            pltpu.SemaphoreType.DMA,
        ],
    )
    def gather_kernel(table_hbm, idx_hbm, out_hbm, idx_v, buf0, buf1, sem0, sem1):
        wid = lax.axis_index("s") * 2 + lax.axis_index("c")
        base = wid * _ROWS_PER_W
        i0 = base // 1024
        j0 = base % 1024
        pltpu.sync_copy(idx_hbm.at[wid], idx_v)
        bufs = (buf0, buf1)
        sems = (sem0, sem1)
        pltpu.async_copy(table_hbm.at[idx_v.at[0]], bufs[0], sems[0])
        for k in range(_NCH):
            if k + 1 < _NCH:
                pltpu.async_copy(table_hbm.at[idx_v.at[k + 1]],
                                 bufs[(k + 1) % 2], sems[(k + 1) % 2])
            pltpu.make_async_copy(table_hbm.at[idx_v.at[k]],
                                  bufs[k % 2], sems[k % 2]).wait()
            pltpu.sync_copy(bufs[k % 2],
                            out_hbm.at[i0, pl.ds(j0 + k * _CH, _CH)])

    return gather_kernel(table, idx3)



def _idx_copy_body(i_ref, o_ref):
    o_ref[...] = i_ref[...]


def _pin_idx(idx3):
    return pl.pallas_call(
        _idx_copy_body,
        in_specs=[pl.BlockSpec((_NW, _NCH, _CH), lambda: (0, 0, 0))],
        out_specs=pl.BlockSpec((_NW, _NCH, _CH), lambda: (0, 0, 0)),
        out_shape=jax.ShapeDtypeStruct((_NW, _NCH, _CH), jnp.int32),
    )(idx3)


def _transpose_body(e_ref, o_ref):
    o_ref[...] = jnp.swapaxes(e_ref[...], 0, 1)


def _transpose_table(embeddings):
    blk = 512
    return pl.pallas_call(
        _transpose_body,
        grid=(_N_EMB // blk,),
        in_specs=[pl.BlockSpec((_E_DIM, blk), lambda i: (0, i))],
        out_specs=pl.BlockSpec((blk, _E_DIM), lambda i: (i, 0)),
        out_shape=jax.ShapeDtypeStruct((_N_EMB, _E_DIM), jnp.float32),
        compiler_params=pltpu.CompilerParams(
            dimension_semantics=("parallel",)),
    )(embeddings)



def _st_body(x_ref, q_ref, o_ref):
    x = x_ref[...]
    o_ref[...] = x + (q_ref[...] - x)


def _straight_through(flat_x, q, interpret=False):
    blk = 2048
    return pl.pallas_call(
        _st_body,
        grid=(_N_ROWS // blk,),
        in_specs=[pl.BlockSpec((blk, _E_DIM), lambda i: (i, 0)),
                  pl.BlockSpec((blk, _E_DIM), lambda i: (i, 0))],
        out_specs=pl.BlockSpec((blk, _E_DIM), lambda i: (i, 0)),
        out_shape=jax.ShapeDtypeStruct((_N_ROWS, _E_DIM), jnp.float32),
        compiler_params=pltpu.CompilerParams(
            dimension_semantics=("parallel",)),
        interpret=interpret,
    )(flat_x, q)



def kernel(x, embeddings):
    input_shape = x.shape
    flattened = jnp.reshape(x, (-1, _E_DIM))
    a_col = jnp.sum(flattened ** 2, axis=1, keepdims=True)
    b_row = jnp.sum(embeddings ** 2, axis=0)[None, :]
    idx = _argmin_indices(flattened, embeddings, a_col, b_row)
    table = _transpose_table(embeddings)
    idx3 = _pin_idx(jnp.reshape(idx, (_NW, _NCH, _CH)))
    del input_shape
    return _gather_rows(table, idx3)

# --- scband reference (transcript-rebuilt; emitter-appended) ---
"""Pipeline reference for scband-vector-quantizer-ema-65042984730632 (READ-ONLY COPY).

The authoritative reference and input builder live on the scoring server;
editing this copy changes nothing except your own understanding.
"""

import jax, jax.numpy as jnp
import numpy as np

NUM_EMBEDDINGS = 8192
EMBEDDING_DIM = 256


def setup_inputs(seed: int = 0) -> dict:
    key = jax.random.key(seed)
    k1, k2 = jax.random.split(key)
    x = jax.random.normal(k1, (16, 1024, EMBEDDING_DIM), dtype=jnp.float32)
    # tf.random_uniform_initializer() default: uniform in [-0.05, 0.05]
    embeddings = jax.random.uniform(k2, (EMBEDDING_DIM, NUM_EMBEDDINGS), dtype=jnp.float32, minval=-0.05, maxval=0.05)
    return {"x": x, "embeddings": embeddings}


def reference(x, embeddings):
    input_shape = x.shape
    flattened = jnp.reshape(x, (-1, EMBEDDING_DIM))
    # get_code_indices
    similarity = jnp.matmul(flattened, embeddings)
    distances = (jnp.sum(flattened ** 2, axis=1, keepdims=True)
                 + jnp.sum(embeddings ** 2, axis=0)
                 - 2.0 * similarity)
    encoding_indices = jnp.argmin(distances, axis=1)
    encodings = jax.nn.one_hot(encoding_indices, NUM_EMBEDDINGS, dtype=jnp.float32)
    quantized = jnp.matmul(encodings, embeddings.T)
    quantized = jnp.reshape(quantized, input_shape)
    # straight-through estimator
    quantized = x + jax.lax.stop_gradient(quantized - x)
    return quantized

if __name__ == "__main__":
    import jax
    _d = setup_inputs()
    print(jax.jit(kernel)(*tuple(_d.values())))

</pallas_src>

<mosaic_0001>
#map = affine_map<(d0, d1) -> (0, 0)>
#map1 = affine_map<(d0, d1) -> (0, 0, 0)>
module attributes {stable_mosaic.version = 14 : i64} {
  func.func @gather_kernel(%arg0: i32, %arg1: i32, %arg2: memref<8192x256xf32, #tpu.memory_space<hbm>>, %arg3: memref<32x4x128xi32, #tpu.memory_space<hbm>>, %arg4: memref<16x1024x256xf32, #tpu.memory_space<hbm>>, %arg5: memref<4x128xi32, #tpu.memory_space<vmem>>, %arg6: memref<128x256xf32, #tpu.memory_space<vmem>>, %arg7: memref<128x256xf32, #tpu.memory_space<vmem>>, %arg8: memref<!tpu.dma_semaphore, #tpu.memory_space<semaphore_mem>>, %arg9: memref<!tpu.dma_semaphore, #tpu.memory_space<semaphore_mem>>) attributes {dimension_semantics = [#tpu.dimension_semantics<core_parallel>, #tpu.dimension_semantics<subcore_parallel>], iteration_bounds = array<i64: 2, 16>, scalar_prefetch = 0 : i64, scratch_operands = 5 : i64, tpu.core_type = #tpu.core_type<sc_vector_subcore>, window_params = [{transform_indices = #map}, {transform_indices = #map1}, {transform_indices = #map1}]} {
    %mul3A = arith.constant 2 : i32
    %mul3A_0 = arith.muli %arg1, %mul3A : i32
    %add3A = arith.addi %mul3A_0, %arg0 : i32
    %mul3A_1 = arith.constant 512 : i32
    %mul3A_2 = arith.muli %add3A, %mul3A_1 : i32
    %jit3A = arith.constant 1024 : i32
    %div3A = arith.divsi %mul3A_2, %jit3A : i32
    %sign3A = arith.constant 0 : i32
    %sign3A_3 = arith.cmpi sgt, %mul3A_2, %sign3A : i32
    %sign3A_4 = arith.extui %sign3A_3 : i1 to i32
    %sign3A_5 = arith.constant 0 : i32
    %sign3A_6 = arith.cmpi slt, %mul3A_2, %sign3A_5 : i32
    %sign3A_7 = arith.extui %sign3A_6 : i1 to i32
    %sign3A_8 = arith.subi %sign3A_4, %sign3A_7 : i32
    %sign3A_9 = arith.constant 0 : i32
    %sign3A_10 = arith.cmpi sgt, %jit3A, %sign3A_9 : i32
    %sign3A_11 = arith.extui %sign3A_10 : i1 to i32
    %sign3A_12 = arith.constant 0 : i32
    %sign3A_13 = arith.cmpi slt, %jit3A, %sign3A_12 : i32
    %sign3A_14 = arith.extui %sign3A_13 : i1 to i32
    %sign3A_15 = arith.subi %sign3A_11, %sign3A_14 : i32
    %ne3A = arith.cmpi ne, %sign3A_8, %sign3A_15 : i32
    %rem3A = arith.remsi %mul3A_2, %jit3A : i32
    %ne3A_16 = arith.constant 0 : i32
    %ne3A_17 = arith.cmpi ne, %rem3A, %ne3A_16 : i32
    %and3A = arith.andi %ne3A, %ne3A_17 : i1
    %sub3A = arith.constant 1 : i32
    %sub3A_18 = arith.subi %div3A, %sub3A : i32
    %select_n3A = arith.select %and3A, %sub3A_18, %div3A : i32
    %jit3A_19 = arith.constant 1024 : i32
    %eq3A = arith.constant 0 : i32
    %eq3A_20 = arith.cmpi eq, %jit3A_19, %eq3A : i32
    %jit3A_21 = arith.constant 1 : i32
    %select_n3A_22 = arith.select %eq3A_20, %jit3A_21, %jit3A_19 : i32
    %rem3A_23 = arith.remsi %mul3A_2, %select_n3A_22 : i32
    %ne3A_24 = arith.constant 0 : i32
    %ne3A_25 = arith.cmpi ne, %rem3A_23, %ne3A_24 : i32
    %lt3A = arith.constant 0 : i32
    %lt3A_26 = arith.cmpi slt, %rem3A_23, %lt3A : i32
    %lt3A_27 = arith.constant 0 : i32
    %lt3A_28 = arith.cmpi slt, %select_n3A_22, %lt3A_27 : i32
    %ne3A_29 = arith.xori %lt3A_26, %lt3A_28 : i1
    %and3A_30 = arith.andi %ne3A_29, %ne3A_25 : i1
    %add3A_31 = arith.addi %rem3A_23, %select_n3A_22 : i32
    %select_n3A_32 = arith.select %and3A_30, %add3A_31, %rem3A_23 : i32
    "tpu.region"() ({
      %run_scoped3A = tpu.sem_alloc : memref<!tpu.dma_semaphore, #tpu.memory_space<semaphore_mem>>
      %dma_start3A_95 = arith.constant 0 : i32
      %dma_start3A_96 = arith.constant 0 : i32
      %dma_start3A_97 = tpu.memref_slice %arg3[%add3A, %dma_start3A_95, %dma_start3A_96] : memref<32x4x128xi32, #tpu.memory_space<hbm>> -> memref<1x4x128xi32, #tpu.memory_space<hbm>>
      %dma_start3A_98 = tpu.memref_squeeze %dma_start3A_97 : memref<1x4x128xi32, #tpu.memory_space<hbm>> -> memref<4x128xi32, #tpu.memory_space<hbm>>
      %dma_start3A_99 = arith.constant 0 : i32
      %dma_start3A_100 = arith.constant 0 : i32
      %dma_start3A_101 = tpu.memref_slice %arg3[%add3A, %dma_start3A_99, %dma_start3A_100] : memref<32x4x128xi32, #tpu.memory_space<hbm>> -> memref<1x4x128xi32, #tpu.memory_space<hbm>>
      %dma_start3A_102 = tpu.memref_squeeze %dma_start3A_101 : memref<1x4x128xi32, #tpu.memory_space<hbm>> -> memref<4x128xi32, #tpu.memory_space<hbm>>
      tpu.enqueue_dma source(%dma_start3A_102 : memref<4x128xi32, #tpu.memory_space<hbm>>) target(%arg5 : memref<4x128xi32, #tpu.memory_space<vmem>>) target_semaphore(%run_scoped3A : memref<!tpu.dma_semaphore, #tpu.memory_space<semaphore_mem>>)
      %dma_wait3A_103 = arith.constant 0 : i32
      %dma_wait3A_104 = arith.constant 0 : i32
      %dma_wait3A_105 = tpu.memref_slice %arg3[%add3A, %dma_wait3A_103, %dma_wait3A_104] : memref<32x4x128xi32, #tpu.memory_space<hbm>> -> memref<1x4x128xi32, #tpu.memory_space<hbm>>
      %dma_wait3A_106 = tpu.memref_squeeze %dma_wait3A_105 : memref<1x4x128xi32, #tpu.memory_space<hbm>> -> memref<4x128xi32, #tpu.memory_space<hbm>>
      %dma_wait3A_107 = arith.constant 0 : i32
      %dma_wait3A_108 = arith.constant 0 : i32
      %dma_wait3A_109 = tpu.memref_slice %arg3[%add3A, %dma_wait3A_107, %dma_wait3A_108] : memref<32x4x128xi32, #tpu.memory_space<hbm>> -> memref<1x4x128xi32, #tpu.memory_space<hbm>>
      %dma_wait3A_110 = tpu.memref_squeeze %dma_wait3A_109 : memref<1x4x128xi32, #tpu.memory_space<hbm>> -> memref<4x128xi32, #tpu.memory_space<hbm>>
      tpu.wait_dma2 semaphore(%run_scoped3A : memref<!tpu.dma_semaphore, #tpu.memory_space<semaphore_mem>>) src(%dma_wait3A_110 : memref<4x128xi32, #tpu.memory_space<hbm>>) dst(%arg5 : memref<4x128xi32, #tpu.memory_space<vmem>>)
      tpu.yield
    }) : () -> ()
    %dma_start3A = arith.constant 0 : i32
    %dma_start3A_33 = arith.constant 0 : i32
    %dma_start3A_34 = tpu.memref_slice %arg5[%dma_start3A, %dma_start3A_33] : memref<4x128xi32, #tpu.memory_space<vmem>> -> memref<1x128xi32, #tpu.memory_space<vmem>>
    %dma_start3A_35 = tpu.memref_squeeze %dma_start3A_34 : memref<1x128xi32, #tpu.memory_space<vmem>> -> memref<128xi32, #tpu.memory_space<vmem>>
    %dma_start3A_36 = arith.constant 0 : i32
    %dma_start3A_37 = arith.constant 0 : i32
    %dma_start3A_38 = tpu.memref_slice %arg2[%dma_start3A_36, %dma_start3A_37] : memref<8192x256xf32, #tpu.memory_space<hbm>> -> memref<8192x256xf32, #tpu.memory_space<hbm>>
    tpu.enqueue_indirect_dma source(%dma_start3A_38 : memref<8192x256xf32, #tpu.memory_space<hbm>>) target(%arg6 : memref<128x256xf32, #tpu.memory_space<vmem>>) offsets(%dma_start3A_35 : memref<128xi32, #tpu.memory_space<vmem>>) semaphore(%arg8 : memref<!tpu.dma_semaphore, #tpu.memory_space<semaphore_mem>>)
    %dma_start3A_39 = arith.constant 1 : i32
    %dma_start3A_40 = arith.constant 0 : i32
    %dma_start3A_41 = tpu.memref_slice %arg5[%dma_start3A_39, %dma_start3A_40] : memref<4x128xi32, #tpu.memory_space<vmem>> -> memref<1x128xi32, #tpu.memory_space<vmem>>
    %dma_start3A_42 = tpu.memref_squeeze %dma_start3A_41 : memref<1x128xi32, #tpu.memory_space<vmem>> -> memref<128xi32, #tpu.memory_space<vmem>>
    %dma_start3A_43 = arith.constant 0 : i32
    %dma_start3A_44 = arith.constant 0 : i32
    %dma_start3A_45 = tpu.memref_slice %arg2[%dma_start3A_43, %dma_start3A_44] : memref<8192x256xf32, #tpu.memory_space<hbm>> -> memref<8192x256xf32, #tpu.memory_space<hbm>>
    tpu.enqueue_indirect_dma source(%dma_start3A_45 : memref<8192x256xf32, #tpu.memory_space<hbm>>) target(%arg7 : memref<128x256xf32, #tpu.memory_space<vmem>>) offsets(%dma_start3A_42 : memref<128xi32, #tpu.memory_space<vmem>>) semaphore(%arg9 : memref<!tpu.dma_semaphore, #tpu.memory_space<semaphore_mem>>)
    %dma_wait3A = arith.constant 0 : i32
    %dma_wait3A_46 = arith.constant 0 : i32
    %dma_wait3A_47 = tpu.memref_slice %arg5[%dma_wait3A, %dma_wait3A_46] : memref<4x128xi32, #tpu.memory_space<vmem>> -> memref<1x128xi32, #tpu.memory_space<vmem>>
    %dma_wait3A_48 = tpu.memref_squeeze %dma_wait3A_47 : memref<1x128xi32, #tpu.memory_space<vmem>> -> memref<128xi32, #tpu.memory_space<vmem>>
    %dma_wait3A_49 = arith.constant 0 : i32
    %dma_wait3A_50 = arith.constant 0 : i32
    %dma_wait3A_51 = tpu.memref_slice %arg2[%dma_wait3A_49, %dma_wait3A_50] : memref<8192x256xf32, #tpu.memory_space<hbm>> -> memref<8192x256xf32, #tpu.memory_space<hbm>>
    tpu.wait_indirect_dma semaphore(%arg8 : memref<!tpu.dma_semaphore, #tpu.memory_space<semaphore_mem>>) src(%dma_wait3A_51 : memref<8192x256xf32, #tpu.memory_space<hbm>>) dst(%arg6 : memref<128x256xf32, #tpu.memory_space<vmem>>)
    %add3A_52 = arith.constant 0 : i32
    %add3A_53 = arith.addi %select_n3A_32, %add3A_52 : i32
    "tpu.region"() ({
      %run_scoped3A = tpu.sem_alloc : memref<!tpu.dma_semaphore, #tpu.memory_space<semaphore_mem>>
      %dma_start3A_95 = arith.constant 0 : i32
      %dma_start3A_96 = tpu.memref_slice %arg4[%select_n3A, %add3A_53, %dma_start3A_95] : memref<16x1024x256xf32, #tpu.memory_space<hbm>> -> memref<1x128x256xf32, #tpu.memory_space<hbm>>
      %dma_start3A_97 = tpu.memref_squeeze %dma_start3A_96 : memref<1x128x256xf32, #tpu.memory_space<hbm>> -> memref<128x256xf32, #tpu.memory_space<hbm>>
      %dma_start3A_98 = arith.constant 0 : i32
      %dma_start3A_99 = tpu.memref_slice %arg4[%select_n3A, %add3A_53, %dma_start3A_98] : memref<16x1024x256xf32, #tpu.memory_space<hbm>> -> memref<1x128x256xf32, #tpu.memory_space<hbm>>
      %dma_start3A_100 = tpu.memref_squeeze %dma_start3A_99 : memref<1x128x256xf32, #tpu.memory_space<hbm>> -> memref<128x256xf32, #tpu.memory_space<hbm>>
      tpu.enqueue_dma source(%arg6 : memref<128x256xf32, #tpu.memory_space<vmem>>) target(%dma_start3A_100 : memref<128x256xf32, #tpu.memory_space<hbm>>) target_semaphore(%run_scoped3A : memref<!tpu.dma_semaphore, #tpu.memory_space<semaphore_mem>>)
      %dma_wait3A_101 = arith.constant 0 : i32
      %dma_wait3A_102 = tpu.memref_slice %arg4[%select_n3A, %add3A_53, %dma_wait3A_101] : memref<16x1024x256xf32, #tpu.memory_space<hbm>> -> memref<1x128x256xf32, #tpu.memory_space<hbm>>
      %dma_wait3A_103 = tpu.memref_squeeze %dma_wait3A_102 : memref<1x128x256xf32, #tpu.memory_space<hbm>> -> memref<128x256xf32, #tpu.memory_space<hbm>>
      %dma_wait3A_104 = arith.constant 0 : i32
      %dma_wait3A_105 = tpu.memref_slice %arg4[%select_n3A, %add3A_53, %dma_wait3A_104] : memref<16x1024x256xf32, #tpu.memory_space<hbm>> -> memref<1x128x256xf32, #tpu.memory_space<hbm>>
      %dma_wait3A_106 = tpu.memref_squeeze %dma_wait3A_105 : memref<1x128x256xf32, #tpu.memory_space<hbm>> -> memref<128x256xf32, #tpu.memory_space<hbm>>
      tpu.wait_dma2 semaphore(%run_scoped3A : memref<!tpu.dma_semaphore, #tpu.memory_space<semaphore_mem>>) src(%arg6 : memref<128x256xf32, #tpu.memory_space<vmem>>) dst(%dma_wait3A_106 : memref<128x256xf32, #tpu.memory_space<hbm>>)
      tpu.yield
    }) : () -> ()
    %dma_start3A_54 = arith.constant 2 : i32
    %dma_start3A_55 = arith.constant 0 : i32
    %dma_start3A_56 = tpu.memref_slice %arg5[%dma_start3A_54, %dma_start3A_55] : memref<4x128xi32, #tpu.memory_space<vmem>> -> memref<1x128xi32, #tpu.memory_space<vmem>>
    %dma_start3A_57 = tpu.memref_squeeze %dma_start3A_56 : memref<1x128xi32, #tpu.memory_space<vmem>> -> memref<128xi32, #tpu.memory_space<vmem>>
    %dma_start3A_58 = arith.constant 0 : i32
    %dma_start3A_59 = arith.constant 0 : i32
    %dma_start3A_60 = tpu.memref_slice %arg2[%dma_start3A_58, %dma_start3A_59] : memref<8192x256xf32, #tpu.memory_space<hbm>> -> memref<8192x256xf32, #tpu.memory_space<hbm>>
    tpu.enqueue_indirect_dma source(%dma_start3A_60 : memref<8192x256xf32, #tpu.memory_space<hbm>>) target(%arg6 : memref<128x256xf32, #tpu.memory_space<vmem>>) offsets(%dma_start3A_57 : memref<128xi32, #tpu.memory_space<vmem>>) semaphore(%arg8 : memref<!tpu.dma_semaphore, #tpu.memory_space<semaphore_mem>>)
    %dma_wait3A_61 = arith.constant 1 : i32
    %dma_wait3A_62 = arith.constant 0 : i32
    %dma_wait3A_63 = tpu.memref_slice %arg5[%dma_wait3A_61, %dma_wait3A_62] : memref<4x128xi32, #tpu.memory_space<vmem>> -> memref<1x128xi32, #tpu.memory_space<vmem>>
    %dma_wait3A_64 = tpu.memref_squeeze %dma_wait3A_63 : memref<1x128xi32, #tpu.memory_space<vmem>> -> memref<128xi32, #tpu.memory_space<vmem>>
    %dma_wait3A_65 = arith.constant 0 : i32
    %dma_wait3A_66 = arith.constant 0 : i32
    %dma_wait3A_67 = tpu.memref_slice %arg2[%dma_wait3A_65, %dma_wait3A_66] : memref<8192x256xf32, #tpu.memory_space<hbm>> -> memref<8192x256xf32, #tpu.memory_space<hbm>>
    tpu.wait_indirect_dma semaphore(%arg9 : memref<!tpu.dma_semaphore, #tpu.memory_space<semaphore_mem>>) src(%dma_wait3A_67 : memref<8192x256xf32, #tpu.memory_space<hbm>>) dst(%arg7 : memref<128x256xf32, #tpu.memory_space<vmem>>)
    %add3A_68 = arith.constant 128 : i32
    %add3A_69 = arith.addi %select_n3A_32, %add3A_68 : i32
    "tpu.region"() ({
      %run_scoped3A = tpu.sem_alloc : memref<!tpu.dma_semaphore, #tpu.memory_space<semaphore_mem>>
      %dma_start3A_95 = arith.constant 0 : i32
      %dma_start3A_96 = tpu.memref_slice %arg4[%select_n3A, %add3A_69, %dma_start3A_95] : memref<16x1024x256xf32, #tpu.memory_space<hbm>> -> memref<1x128x256xf32, #tpu.memory_space<hbm>>
      %dma_start3A_97 = tpu.memref_squeeze %dma_start3A_96 : memref<1x128x256xf32, #tpu.memory_space<hbm>> -> memref<128x256xf32, #tpu.memory_space<hbm>>
      %dma_start3A_98 = arith.constant 0 : i32
      %dma_start3A_99 = tpu.memref_slice %arg4[%select_n3A, %add3A_69, %dma_start3A_98] : memref<16x1024x256xf32, #tpu.memory_space<hbm>> -> memref<1x128x256xf32, #tpu.memory_space<hbm>>
      %dma_start3A_100 = tpu.memref_squeeze %dma_start3A_99 : memref<1x128x256xf32, #tpu.memory_space<hbm>> -> memref<128x256xf32, #tpu.memory_space<hbm>>
      tpu.enqueue_dma source(%arg7 : memref<128x256xf32, #tpu.memory_space<vmem>>) target(%dma_start3A_100 : memref<128x256xf32, #tpu.memory_space<hbm>>) target_semaphore(%run_scoped3A : memref<!tpu.dma_semaphore, #tpu.memory_space<semaphore_mem>>)
      %dma_wait3A_101 = arith.constant 0 : i32
      %dma_wait3A_102 = tpu.memref_slice %arg4[%select_n3A, %add3A_69, %dma_wait3A_101] : memref<16x1024x256xf32, #tpu.memory_space<hbm>> -> memref<1x128x256xf32, #tpu.memory_space<hbm>>
      %dma_wait3A_103 = tpu.memref_squeeze %dma_wait3A_102 : memref<1x128x256xf32, #tpu.memory_space<hbm>> -> memref<128x256xf32, #tpu.memory_space<hbm>>
      %dma_wait3A_104 = arith.constant 0 : i32
      %dma_wait3A_105 = tpu.memref_slice %arg4[%select_n3A, %add3A_69, %dma_wait3A_104] : memref<16x1024x256xf32, #tpu.memory_space<hbm>> -> memref<1x128x256xf32, #tpu.memory_space<hbm>>
      %dma_wait3A_106 = tpu.memref_squeeze %dma_wait3A_105 : memref<1x128x256xf32, #tpu.memory_space<hbm>> -> memref<128x256xf32, #tpu.memory_space<hbm>>
      tpu.wait_dma2 semaphore(%run_scoped3A : memref<!tpu.dma_semaphore, #tpu.memory_space<semaphore_mem>>) src(%arg7 : memref<128x256xf32, #tpu.memory_space<vmem>>) dst(%dma_wait3A_106 : memref<128x256xf32, #tpu.memory_space<hbm>>)
      tpu.yield
    }) : () -> ()
    %dma_start3A_70 = arith.constant 3 : i32
    %dma_start3A_71 = arith.constant 0 : i32
    %dma_start3A_72 = tpu.memref_slice %arg5[%dma_start3A_70, %dma_start3A_71] : memref<4x128xi32, #tpu.memory_space<vmem>> -> memref<1x128xi32, #tpu.memory_space<vmem>>
    %dma_start3A_73 = tpu.memref_squeeze %dma_start3A_72 : memref<1x128xi32, #tpu.memory_space<vmem>> -> memref<128xi32, #tpu.memory_space<vmem>>
    %dma_start3A_74 = arith.constant 0 : i32
    %dma_start3A_75 = arith.constant 0 : i32
    %dma_start3A_76 = tpu.memref_slice %arg2[%dma_start3A_74, %dma_start3A_75] : memref<8192x256xf32, #tpu.memory_space<hbm>> -> memref<8192x256xf32, #tpu.memory_space<hbm>>
    tpu.enqueue_indirect_dma source(%dma_start3A_76 : memref<8192x256xf32, #tpu.memory_space<hbm>>) target(%arg7 : memref<128x256xf32, #tpu.memory_space<vmem>>) offsets(%dma_start3A_73 : memref<128xi32, #tpu.memory_space<vmem>>) semaphore(%arg9 : memref<!tpu.dma_semaphore, #tpu.memory_space<semaphore_mem>>)
    %dma_wait3A_77 = arith.constant 2 : i32
    %dma_wait3A_78 = arith.constant 0 : i32
    %dma_wait3A_79 = tpu.memref_slice %arg5[%dma_wait3A_77, %dma_wait3A_78] : memref<4x128xi32, #tpu.memory_space<vmem>> -> memref<1x128xi32, #tpu.memory_space<vmem>>
    %dma_wait3A_80 = tpu.memref_squeeze %dma_wait3A_79 : memref<1x128xi32, #tpu.memory_space<vmem>> -> memref<128xi32, #tpu.memory_space<vmem>>
    %dma_wait3A_81 = arith.constant 0 : i32
    %dma_wait3A_82 = arith.constant 0 : i32
    %dma_wait3A_83 = tpu.memref_slice %arg2[%dma_wait3A_81, %dma_wait3A_82] : memref<8192x256xf32, #tpu.memory_space<hbm>> -> memref<8192x256xf32, #tpu.memory_space<hbm>>
    tpu.wait_indirect_dma semaphore(%arg8 : memref<!tpu.dma_semaphore, #tpu.memory_space<semaphore_mem>>) src(%dma_wait3A_83 : memref<8192x256xf32, #tpu.memory_space<hbm>>) dst(%arg6 : memref<128x256xf32, #tpu.memory_space<vmem>>)
    %add3A_84 = arith.constant 256 : i32
    %add3A_85 = arith.addi %select_n3A_32, %add3A_84 : i32
    "tpu.region"() ({
      %run_scoped3A = tpu.sem_alloc : memref<!tpu.dma_semaphore, #tpu.memory_space<semaphore_mem>>
      %dma_start3A_95 = arith.constant 0 : i32
      %dma_start3A_96 = tpu.memref_slice %arg4[%select_n3A, %add3A_85, %dma_start3A_95] : memref<16x1024x256xf32, #tpu.memory_space<hbm>> -> memref<1x128x256xf32, #tpu.memory_space<hbm>>
      %dma_start3A_97 = tpu.memref_squeeze %dma_start3A_96 : memref<1x128x256xf32, #tpu.memory_space<hbm>> -> memref<128x256xf32, #tpu.memory_space<hbm>>
      %dma_start3A_98 = arith.constant 0 : i32
      %dma_start3A_99 = tpu.memref_slice %arg4[%select_n3A, %add3A_85, %dma_start3A_98] : memref<16x1024x256xf32, #tpu.memory_space<hbm>> -> memref<1x128x256xf32, #tpu.memory_space<hbm>>
      %dma_start3A_100 = tpu.memref_squeeze %dma_start3A_99 : memref<1x128x256xf32, #tpu.memory_space<hbm>> -> memref<128x256xf32, #tpu.memory_space<hbm>>
      tpu.enqueue_dma source(%arg6 : memref<128x256xf32, #tpu.memory_space<vmem>>) target(%dma_start3A_100 : memref<128x256xf32, #tpu.memory_space<hbm>>) target_semaphore(%run_scoped3A : memref<!tpu.dma_semaphore, #tpu.memory_space<semaphore_mem>>)
      %dma_wait3A_101 = arith.constant 0 : i32
      %dma_wait3A_102 = tpu.memref_slice %arg4[%select_n3A, %add3A_85, %dma_wait3A_101] : memref<16x1024x256xf32, #tpu.memory_space<hbm>> -> memref<1x128x256xf32, #tpu.memory_space<hbm>>
      %dma_wait3A_103 = tpu.memref_squeeze %dma_wait3A_102 : memref<1x128x256xf32, #tpu.memory_space<hbm>> -> memref<128x256xf32, #tpu.memory_space<hbm>>
      %dma_wait3A_104 = arith.constant 0 : i32
      %dma_wait3A_105 = tpu.memref_slice %arg4[%select_n3A, %add3A_85, %dma_wait3A_104] : memref<16x1024x256xf32, #tpu.memory_space<hbm>> -> memref<1x128x256xf32, #tpu.memory_space<hbm>>
      %dma_wait3A_106 = tpu.memref_squeeze %dma_wait3A_105 : memref<1x128x256xf32, #tpu.memory_space<hbm>> -> memref<128x256xf32, #tpu.memory_space<hbm>>
      tpu.wait_dma2 semaphore(%run_scoped3A : memref<!tpu.dma_semaphore, #tpu.memory_space<semaphore_mem>>) src(%arg6 : memref<128x256xf32, #tpu.memory_space<vmem>>) dst(%dma_wait3A_106 : memref<128x256xf32, #tpu.memory_space<hbm>>)
      tpu.yield
    }) : () -> ()
    %dma_wait3A_86 = arith.constant 3 : i32
    %dma_wait3A_87 = arith.constant 0 : i32
    %dma_wait3A_88 = tpu.memref_slice %arg5[%dma_wait3A_86, %dma_wait3A_87] : memref<4x128xi32, #tpu.memory_space<vmem>> -> memref<1x128xi32, #tpu.memory_space<vmem>>
    %dma_wait3A_89 = tpu.memref_squeeze %dma_wait3A_88 : memref<1x128xi32, #tpu.memory_space<vmem>> -> memref<128xi32, #tpu.memory_space<vmem>>
    %dma_wait3A_90 = arith.constant 0 : i32
    %dma_wait3A_91 = arith.constant 0 : i32
    %dma_wait3A_92 = tpu.memref_slice %arg2[%dma_wait3A_90, %dma_wait3A_91] : memref<8192x256xf32, #tpu.memory_space<hbm>> -> memref<8192x256xf32, #tpu.memory_space<hbm>>
    tpu.wait_indirect_dma semaphore(%arg9 : memref<!tpu.dma_semaphore, #tpu.memory_space<semaphore_mem>>) src(%dma_wait3A_92 : memref<8192x256xf32, #tpu.memory_space<hbm>>) dst(%arg7 : memref<128x256xf32, #tpu.memory_space<vmem>>)
    %add3A_93 = arith.constant 384 : i32
    %add3A_94 = arith.addi %select_n3A_32, %add3A_93 : i32
    "tpu.region"() ({
      %run_scoped3A = tpu.sem_alloc : memref<!tpu.dma_semaphore, #tpu.memory_space<semaphore_mem>>
      %dma_start3A_95 = arith.constant 0 : i32
      %dma_start3A_96 = tpu.memref_slice %arg4[%select_n3A, %add3A_94, %dma_start3A_95] : memref<16x1024x256xf32, #tpu.memory_space<hbm>> -> memref<1x128x256xf32, #tpu.memory_space<hbm>>
      %dma_start3A_97 = tpu.memref_squeeze %dma_start3A_96 : memref<1x128x256xf32, #tpu.memory_space<hbm>> -> memref<128x256xf32, #tpu.memory_space<hbm>>
      %dma_start3A_98 = arith.constant 0 : i32
      %dma_start3A_99 = tpu.memref_slice %arg4[%select_n3A, %add3A_94, %dma_start3A_98] : memref<16x1024x256xf32, #tpu.memory_space<hbm>> -> memref<1x128x256xf32, #tpu.memory_space<hbm>>
      %dma_start3A_100 = tpu.memref_squeeze %dma_start3A_99 : memref<1x128x256xf32, #tpu.memory_space<hbm>> -> memref<128x256xf32, #tpu.memory_space<hbm>>
      tpu.enqueue_dma source(%arg7 : memref<128x256xf32, #tpu.memory_space<vmem>>) target(%dma_start3A_100 : memref<128x256xf32, #tpu.memory_space<hbm>>) target_semaphore(%run_scoped3A : memref<!tpu.dma_semaphore, #tpu.memory_space<semaphore_mem>>)
      %dma_wait3A_101 = arith.constant 0 : i32
      %dma_wait3A_102 = tpu.memref_slice %arg4[%select_n3A, %add3A_94, %dma_wait3A_101] : memref<16x1024x256xf32, #tpu.memory_space<hbm>> -> memref<1x128x256xf32, #tpu.memory_space<hbm>>
      %dma_wait3A_103 = tpu.memref_squeeze %dma_wait3A_102 : memref<1x128x256xf32, #tpu.memory_space<hbm>> -> memref<128x256xf32, #tpu.memory_space<hbm>>
      %dma_wait3A_104 = arith.constant 0 : i32
      %dma_wait3A_105 = tpu.memref_slice %arg4[%select_n3A, %add3A_94, %dma_wait3A_104] : memref<16x1024x256xf32, #tpu.memory_space<hbm>> -> memref<1x128x256xf32, #tpu.memory_space<hbm>>
      %dma_wait3A_106 = tpu.memref_squeeze %dma_wait3A_105 : memref<1x128x256xf32, #tpu.memory_space<hbm>> -> memref<128x256xf32, #tpu.memory_space<hbm>>
      tpu.wait_dma2 semaphore(%run_scoped3A : memref<!tpu.dma_semaphore, #tpu.memory_space<semaphore_mem>>) src(%arg7 : memref<128x256xf32, #tpu.memory_space<vmem>>) dst(%dma_wait3A_106 : memref<128x256xf32, #tpu.memory_space<hbm>>)
      tpu.yield
    }) : () -> ()
    return
  }
}

module attributes {stable_mosaic.version = 14 : i64} {
  func.func @_transpose_body(%arg0: i32, %arg1: memref<256x512xf32, #tpu.memory_space<vmem>>, %arg2: memref<512x256xf32, #tpu.memory_space<vmem>>) attributes {dimension_semantics = [#tpu.dimension_semantics<parallel>], iteration_bounds = array<i64: 16>, scalar_prefetch = 0 : i64, scratch_operands = 0 : i64, tpu.core_type = #tpu.core_type<tc>, window_params = [{transform_indices = @transform_0, window_bounds = array<i64: 256, 512>}, {transform_indices = @transform_1, window_bounds = array<i64: 512, 256>}]} {
    %get3A = arith.constant 0 : index
    %get3A_0 = arith.constant 0 : index
    %get3A_1 = vector.load %arg1[%get3A, %get3A_0] : memref<256x512xf32, #tpu.memory_space<vmem>>, vector<256x512xf32>
    %transpose3A = tpu.transpose %get3A_1, [1, 0] : vector<256x512xf32> -> vector<512x256xf32>
    %swap3A = arith.constant 0 : index
    %swap3A_2 = arith.constant 0 : index
    %swap3A_3 = vector.load %arg2[%swap3A, %swap3A_2] : memref<512x256xf32, #tpu.memory_space<vmem>>, vector<512x256xf32>
    tpu.vector_store %arg2[%swap3A, %swap3A_2], %transpose3A {strides = array<i32>} : memref<512x256xf32, #tpu.memory_space<vmem>>, vector<512x256xf32>,
    return
  }
  func.func @transform_0(%arg0: i32) -> (i32, i32) {
    %c0_i32 = arith.constant 0 : i32
    %c0_i32_0 = arith.constant 0 : i32
    return %c0_i32, %arg0 : i32, i32
  }
  func.func @transform_1(%arg0: i32) -> (i32, i32) {
    %c0_i32 = arith.constant 0 : i32
    %c0_i32_0 = arith.constant 0 : i32
    return %arg0, %c0_i32 : i32, i32
  }
}

module attributes {stable_mosaic.version = 14 : i64} {
  func.func @_argmin_body(%arg0: i32, %arg1: memref<512x256xf32, #tpu.memory_space<vmem>>, %arg2: memref<256x8192xf32, #tpu.memory_space<vmem>>, %arg3: memref<512x1xf32, #tpu.memory_space<vmem>>, %arg4: memref<1x8192xf32, #tpu.memory_space<vmem>>, %arg5: memref<512x1xi32, #tpu.memory_space<vmem>>) attributes {dimension_semantics = [#tpu.dimension_semantics<parallel>], iteration_bounds = array<i64: 32>, scalar_prefetch = 0 : i64, scratch_operands = 0 : i64, tpu.core_type = #tpu.core_type<tc>, window_params = [{transform_indices = @transform_0, window_bounds = array<i64: 512, 256>}, {pipeline_mode = #tpu.pipeline_mode<synchronous>, transform_indices = @transform_1, window_bounds = array<i64: 256, 8192>}, {transform_indices = @transform_2, window_bounds = array<i64: 512, 1>}, {pipeline_mode = #tpu.pipeline_mode<synchronous>, transform_indices = @transform_3, window_bounds = array<i64: 1, 8192>}, {transform_indices = @transform_4, window_bounds = array<i64: 512, 1>}]} {
    %get3A = arith.constant 0 : index
    %get3A_0 = arith.constant 0 : index
    %get3A_1 = vector.load %arg1[%get3A, %get3A_0] : memref<512x256xf32, #tpu.memory_space<vmem>>, vector<512x256xf32>
    %mul3A = arith.constant 2.000000e+00 : f32
    %mul3A_2 = vector.broadcast %mul3A : f32 to vector<512x256xf32>
    %mul3A_3 = arith.mulf %get3A_1, %mul3A_2 : vector<512x256xf32>
    %get3A_4 = arith.constant 0 : index
    %get3A_5 = arith.constant 0 : index
    %get3A_6 = vector.load %arg3[%get3A_4, %get3A_5] : memref<512x1xf32, #tpu.memory_space<vmem>>, vector<512x1xf32>
    %broadcast_in_dim3A = arith.constant 0x7F800000 : f32
    %broadcast_in_dim3A_7 = vector.broadcast %broadcast_in_dim3A : f32 to vector<512x1xf32>
    %broadcast_in_dim3A_8 = arith.constant 0 : i32
    %broadcast_in_dim3A_9 = vector.broadcast %broadcast_in_dim3A_8 : i32 to vector<512x1xi32>
    %get3A_10 = arith.constant 0 : index
    %get3A_11 = arith.constant 0 : index
    %get3A_12 = vector.load %arg2[%get3A_10, %get3A_11] : memref<256x8192xf32, #tpu.memory_space<vmem>>, vector<256x2816xf32>
    %dot_general3A = arith.constant dense<0.000000e+00> : vector<512x2816xf32>
    %dot_general3A_13 = tpu.matmul %mul3A_3, %get3A_12, %dot_general3A {dimension_numbers = #tpu.dot_dimension_numbers<[1], [0], [0], [1], [0, 0, 1, 1], [], []>, transpose_lhs_hint = false} : vector<512x256xf32>, vector<256x2816xf32>, vector<512x2816xf32> -> vector<512x2816xf32>
    %get3A_14 = arith.constant 0 : index
    %get3A_15 = arith.constant 0 : index
    %get3A_16 = vector.load %arg4[%get3A_14, %get3A_15] : memref<1x8192xf32, #tpu.memory_space<vmem>>, vector<1x2816xf32>
    %add3A = vector.broadcast %get3A_6 : vector<512x1xf32> to vector<512x2816xf32>
    %add3A_17 = vector.broadcast %get3A_16 : vector<1x2816xf32> to vector<512x2816xf32>
    %add3A_18 = arith.addf %add3A, %add3A_17 : vector<512x2816xf32>
    %sub3A = arith.subf %add3A_18, %dot_general3A_13 : vector<512x2816xf32>
    %reduce_min3A = arith.constant dense<0x7F800000> : vector<512xf32>
    %reduce_min3A_19 = vector.multi_reduction <minimumf>, %sub3A, %reduce_min3A [1] : vector<512x2816xf32> to vector<512xf32>
    %broadcast_in_dim3A_20 = vector.shape_cast %reduce_min3A_19 : vector<512xf32> to vector<512x1xf32>
    %iota3A = tpu.iota {dimensions = array<i32: 1>} : vector<512x2816xi32>
    %add3A_21 = arith.constant 0 : i32
    %add3A_22 = vector.broadcast %add3A_21 : i32 to vector<512x2816xi32>
    %add3A_23 = arith.addi %iota3A, %add3A_22 : vector<512x2816xi32>
    %eq3A = vector.broadcast %broadcast_in_dim3A_20 : vector<512x1xf32> to vector<512x2816xf32>
    %eq3A_24 = arith.cmpf oeq, %sub3A, %eq3A : vector<512x2816xf32>
    %jit3A = arith.constant 2147483647 : i32
    %broadcast_in_dim3A_25 = vector.broadcast %jit3A : i32 to vector<512x2816xi32>
    %select_n3A = arith.select %eq3A_24, %add3A_23, %broadcast_in_dim3A_25 : vector<512x2816xi1>, vector<512x2816xi32>
    %reduce_min3A_26 = arith.constant dense<2147483647> : vector<512xi32>
    %reduce_min3A_27 = vector.multi_reduction <minsi>, %select_n3A, %reduce_min3A_26 [1] : vector<512x2816xi32> to vector<512xi32>
    %broadcast_in_dim3A_28 = vector.shape_cast %reduce_min3A_27 : vector<512xi32> to vector<512x1xi32>
    %lt3A = arith.cmpf olt, %broadcast_in_dim3A_20, %broadcast_in_dim3A_7 : vector<512x1xf32>
    %eq3A_29 = arith.cmpf oeq, %broadcast_in_dim3A_20, %broadcast_in_dim3A_7 : vector<512x1xf32>
    %lt3A_30 = arith.cmpi slt, %broadcast_in_dim3A_28, %broadcast_in_dim3A_9 : vector<512x1xi32>
    %and3A = arith.andi %eq3A_29, %lt3A_30 : vector<512x1xi1>
    %or3A = arith.ori %lt3A, %and3A : vector<512x1xi1>
    %select_n3A_31 = arith.select %or3A, %broadcast_in_dim3A_28, %broadcast_in_dim3A_9 : vector<512x1xi1>, vector<512x1xi32>
    %convert_element_type3A = arith.truncf %broadcast_in_dim3A_20 : vector<512x1xf32> to vector<512x1xbf16>
    %convert_element_type3A_32 = arith.extf %convert_element_type3A : vector<512x1xbf16> to vector<512x1xf32>
    %select_n3A_33 = arith.select %or3A, %convert_element_type3A_32, %broadcast_in_dim3A_7 : vector<512x1xi1>, vector<512x1xf32>
    %get3A_34 = arith.constant 0 : index
    %get3A_35 = arith.constant 2816 : index
    %get3A_36 = vector.load %arg2[%get3A_34, %get3A_35] : memref<256x8192xf32, #tpu.memory_space<vmem>>, vector<256x2816xf32>
    %dot_general3A_37 = arith.constant dense<0.000000e+00> : vector<512x2816xf32>
    %dot_general3A_38 = tpu.matmul %mul3A_3, %get3A_36, %dot_general3A_37 {dimension_numbers = #tpu.dot_dimension_numbers<[1], [0], [0], [1], [0, 0, 1, 1], [], []>, transpose_lhs_hint = false} : vector<512x256xf32>, vector<256x2816xf32>, vector<512x2816xf32> -> vector<512x2816xf32>
    %get3A_39 = arith.constant 0 : index
    %get3A_40 = arith.constant 2816 : index
    %get3A_41 = vector.load %arg4[%get3A_39, %get3A_40] : memref<1x8192xf32, #tpu.memory_space<vmem>>, vector<1x2816xf32>
    %add3A_42 = vector.broadcast %get3A_6 : vector<512x1xf32> to vector<512x2816xf32>
    %add3A_43 = vector.broadcast %get3A_41 : vector<1x2816xf32> to vector<512x2816xf32>
    %add3A_44 = arith.addf %add3A_42, %add3A_43 : vector<512x2816xf32>
    %sub3A_45 = arith.subf %add3A_44, %dot_general3A_38 : vector<512x2816xf32>
    %reduce_min3A_46 = arith.constant dense<0x7F800000> : vector<512xf32>
    %reduce_min3A_47 = vector.multi_reduction <minimumf>, %sub3A_45, %reduce_min3A_46 [1] : vector<512x2816xf32> to vector<512xf32>
    %broadcast_in_dim3A_48 = vector.shape_cast %reduce_min3A_47 : vector<512xf32> to vector<512x1xf32>
    %iota3A_49 = tpu.iota {dimensions = array<i32: 1>} : vector<512x2816xi32>
    %add3A_50 = arith.constant 2816 : i32
    %add3A_51 = vector.broadcast %add3A_50 : i32 to vector<512x2816xi32>
    %add3A_52 = arith.addi %iota3A_49, %add3A_51 : vector<512x2816xi32>
    %eq3A_53 = vector.broadcast %broadcast_in_dim3A_48 : vector<512x1xf32> to vector<512x2816xf32>
    %eq3A_54 = arith.cmpf oeq, %sub3A_45, %eq3A_53 : vector<512x2816xf32>
    %jit3A_55 = arith.constant 2147483647 : i32
    %broadcast_in_dim3A_56 = vector.broadcast %jit3A_55 : i32 to vector<512x2816xi32>
    %select_n3A_57 = arith.select %eq3A_54, %add3A_52, %broadcast_in_dim3A_56 : vector<512x2816xi1>, vector<512x2816xi32>
    %reduce_min3A_58 = arith.constant dense<2147483647> : vector<512xi32>
    %reduce_min3A_59 = vector.multi_reduction <minsi>, %select_n3A_57, %reduce_min3A_58 [1] : vector<512x2816xi32> to vector<512xi32>
    %broadcast_in_dim3A_60 = vector.shape_cast %reduce_min3A_59 : vector<512xi32> to vector<512x1xi32>
    %lt3A_61 = arith.cmpf olt, %broadcast_in_dim3A_48, %select_n3A_33 : vector<512x1xf32>
    %eq3A_62 = arith.cmpf oeq, %broadcast_in_dim3A_48, %select_n3A_33 : vector<512x1xf32>
    %lt3A_63 = arith.cmpi slt, %broadcast_in_dim3A_60, %select_n3A_31 : vector<512x1xi32>
    %and3A_64 = arith.andi %eq3A_62, %lt3A_63 : vector<512x1xi1>
    %or3A_65 = arith.ori %lt3A_61, %and3A_64 : vector<512x1xi1>
    %select_n3A_66 = arith.select %or3A_65, %broadcast_in_dim3A_60, %select_n3A_31 : vector<512x1xi1>, vector<512x1xi32>
    %convert_element_type3A_67 = arith.truncf %broadcast_in_dim3A_48 : vector<512x1xf32> to vector<512x1xbf16>
    %convert_element_type3A_68 = arith.extf %convert_element_type3A_67 : vector<512x1xbf16> to vector<512x1xf32>
    %select_n3A_69 = arith.select %or3A_65, %convert_element_type3A_68, %select_n3A_33 : vector<512x1xi1>, vector<512x1xf32>
    %get3A_70 = arith.constant 0 : index
    %get3A_71 = arith.constant 5632 : index
    %get3A_72 = vector.load %arg2[%get3A_70, %get3A_71] : memref<256x8192xf32, #tpu.memory_space<vmem>>, vector<256x2560xf32>
    %dot_general3A_73 = arith.constant dense<0.000000e+00> : vector<512x2560xf32>
    %dot_general3A_74 = tpu.matmul %mul3A_3, %get3A_72, %dot_general3A_73 {dimension_numbers = #tpu.dot_dimension_numbers<[1], [0], [0], [1], [0, 0, 1, 1], [], []>, transpose_lhs_hint = false} : vector<512x256xf32>, vector<256x2560xf32>, vector<512x2560xf32> -> vector<512x2560xf32>
    %get3A_75 = arith.constant 0 : index
    %get3A_76 = arith.constant 5632 : index
    %get3A_77 = vector.load %arg4[%get3A_75, %get3A_76] : memref<1x8192xf32, #tpu.memory_space<vmem>>, vector<1x2560xf32>
    %add3A_78 = vector.broadcast %get3A_6 : vector<512x1xf32> to vector<512x2560xf32>
    %add3A_79 = vector.broadcast %get3A_77 : vector<1x2560xf32> to vector<512x2560xf32>
    %add3A_80 = arith.addf %add3A_78, %add3A_79 : vector<512x2560xf32>
    %sub3A_81 = arith.subf %add3A_80, %dot_general3A_74 : vector<512x2560xf32>
    %reduce_min3A_82 = arith.constant dense<0x7F800000> : vector<512xf32>
    %reduce_min3A_83 = vector.multi_reduction <minimumf>, %sub3A_81, %reduce_min3A_82 [1] : vector<512x2560xf32> to vector<512xf32>
    %broadcast_in_dim3A_84 = vector.shape_cast %reduce_min3A_83 : vector<512xf32> to vector<512x1xf32>
    %iota3A_85 = tpu.iota {dimensions = array<i32: 1>} : vector<512x2560xi32>
    %add3A_86 = arith.constant 5632 : i32
    %add3A_87 = vector.broadcast %add3A_86 : i32 to vector<512x2560xi32>
    %add3A_88 = arith.addi %iota3A_85, %add3A_87 : vector<512x2560xi32>
    %eq3A_89 = vector.broadcast %broadcast_in_dim3A_84 : vector<512x1xf32> to vector<512x2560xf32>
    %eq3A_90 = arith.cmpf oeq, %sub3A_81, %eq3A_89 : vector<512x2560xf32>
    %jit3A_91 = arith.constant 2147483647 : i32
    %broadcast_in_dim3A_92 = vector.broadcast %jit3A_91 : i32 to vector<512x2560xi32>
    %select_n3A_93 = arith.select %eq3A_90, %add3A_88, %broadcast_in_dim3A_92 : vector<512x2560xi1>, vector<512x2560xi32>
    %reduce_min3A_94 = arith.constant dense<2147483647> : vector<512xi32>
    %reduce_min3A_95 = vector.multi_reduction <minsi>, %select_n3A_93, %reduce_min3A_94 [1] : vector<512x2560xi32> to vector<512xi32>
    %broadcast_in_dim3A_96 = vector.shape_cast %reduce_min3A_95 : vector<512xi32> to vector<512x1xi32>
    %lt3A_97 = arith.cmpf olt, %broadcast_in_dim3A_84, %select_n3A_69 : vector<512x1xf32>
    %eq3A_98 = arith.cmpf oeq, %broadcast_in_dim3A_84, %select_n3A_69 : vector<512x1xf32>
    %lt3A_99 = arith.cmpi slt, %broadcast_in_dim3A_96, %select_n3A_66 : vector<512x1xi32>
    %and3A_100 = arith.andi %eq3A_98, %lt3A_99 : vector<512x1xi1>
    %or3A_101 = arith.ori %lt3A_97, %and3A_100 : vector<512x1xi1>
    %select_n3A_102 = arith.select %or3A_101, %broadcast_in_dim3A_96, %select_n3A_66 : vector<512x1xi1>, vector<512x1xi32>
    %swap3A = arith.constant 0 : index
    %swap3A_103 = arith.constant 0 : index
    %swap3A_104 = vector.load %arg5[%swap3A, %swap3A_103] : memref<512x1xi32, #tpu.memory_space<vmem>>, vector<512x1xi32>
    tpu.vector_store %arg5[%swap3A, %swap3A_103], %select_n3A_102 {strides = array<i32>} : memref<512x1xi32, #tpu.memory_space<vmem>>, vector<512x1xi32>,
    return
  }
  func.func @transform_0(%arg0: i32) -> (i32, i32) {
    %c0_i32 = arith.constant 0 : i32
    %c0_i32_0 = arith.constant 0 : i32
    return %arg0, %c0_i32 : i32, i32
  }
  func.func @transform_1(%arg0: i32) -> (i32, i32) {
    %c0_i32 = arith.constant 0 : i32
    %c0_i32_0 = arith.constant 0 : i32
    %c0_i32_1 = arith.constant 0 : i32
    return %c0_i32, %c0_i32_0 : i32, i32
  }
  func.func @transform_2(%arg0: i32) -> (i32, i32) {
    %c0_i32 = arith.constant 0 : i32
    %c0_i32_0 = arith.constant 0 : i32
    return %arg0, %c0_i32 : i32, i32
  }
  func.func @transform_3(%arg0: i32) -> (i32, i32) {
    %c0_i32 = arith.constant 0 : i32
    %c0_i32_0 = arith.constant 0 : i32
    %c0_i32_1 = arith.constant 0 : i32
    return %c0_i32, %c0_i32_0 : i32, i32
  }
  func.func @transform_4(%arg0: i32) -> (i32, i32) {
    %c0_i32 = arith.constant 0 : i32
    %c0_i32_0 = arith.constant 0 : i32
    return %arg0, %c0_i32 : i32, i32
  }
}

module attributes {stable_mosaic.version = 14 : i64} {
  func.func @_idx_copy_body(%arg0: memref<32x4x128xi32, #tpu.memory_space<vmem>>, %arg1: memref<32x4x128xi32, #tpu.memory_space<vmem>>) attributes {dimension_semantics = [], scalar_prefetch = 0 : i64, scratch_operands = 0 : i64, tpu.core_type = #tpu.core_type<tc>} {
    %get3A = arith.constant 0 : index
    %get3A_0 = arith.constant 0 : index
    %get3A_1 = arith.constant 0 : index
    %get3A_2 = vector.load %arg0[%get3A, %get3A_0, %get3A_1] : memref<32x4x128xi32, #tpu.memory_space<vmem>>, vector<32x4x128xi32>
    %swap3A = arith.constant 0 : index
    %swap3A_3 = arith.constant 0 : index
    %swap3A_4 = arith.constant 0 : index
    %swap3A_5 = vector.load %arg1[%swap3A, %swap3A_3, %swap3A_4] : memref<32x4x128xi32, #tpu.memory_space<vmem>>, vector<32x4x128xi32>
    tpu.vector_store %arg1[%swap3A, %swap3A_3, %swap3A_4], %get3A_2 {strides = array<i32>} : memref<32x4x128xi32, #tpu.memory_space<vmem>>, vector<32x4x128xi32>,
    return
  }
}

</mosaic_0001>

<sc_bundles>
// kernel: kernel.6.cloned.1.call-start
scs
__scs_entry_jumppad:
0x0: {  	(pc) =	sbr.rel $0x88, $3  }
0x1: {  	(tag) =	ssettag $0x0;
	lr =	simm.s32 $0x1  }
0x2: {  	[smem:$0x3F9F] =	sst lr;
	_ =	strace $0xD0000000  }
0x3: {  	_ = 	snop  }
0x4: {  	_ = 	snop  }
0x5: {  	_ = 	snop  }
0x6: {  	_ = 	snop  }
0x7: {  	_ = 	snop  }
__scs_overlays_trampoline_lowered:
0x8: {  	[smem:$0x3FAE] =	sst s0  }
0x9: {  	[smem:$0x3FAF] =	sst s1  }
0xa: {  	[smem:$0x3FB0] =	sst s2  }
0xb: {  	[smem:$0x3FB1] =	sst s3  }
0xc: {  	[smem:$0x3FB2] =	sst s4  }
0xd: {  	[smem:$0x3FB3] =	sst s5  }
0xe: {  	[smem:$0x3FB4] =	sst s6  }
0xf: {  	[smem:$0x3FB5] =	sst s7  }
0x10: {  	[smem:$0x3FB6] =	sst s8  }
0x11: {  	[smem:$0x3FB7] =	sst s9;
	s0 =	simm.s32 @!p0 $0x0  }
0x12: {  	s1 =	sld [smem:$0x3F9D];
	s0 =	simm.s32 @p0 $0x1  }
0x13: {  	[smem:$0x3FB8] =	sst s0;
	s0 =	simm.s32 @!p1 $0x0  }
0x14: {  	s2 =	sld [smem:$0x3F9C];
	s0 =	simm.s32 @p1 $0x1  }
0x15: {  	[smem:$0x3FB9] =	sst s0;
	s0 =	simm.s32 @!p2 $0x0  }
0x16: {  	s3 =	sld [smem:$0x3FDB];
	s0 =	simm.s32 @p2 $0x1  }
0x17: {  	s4 =	simm.s32 $0x1BF5;
	[smem:$0x3FBB] =	sst s0  }
0x18: {  	s0 =	sld [smem:$0x3F9E];
	_ =	swait.ge [sflag:s4], $0x0  }
0x19: {  	s7 =	sld [smem:$0x3F9F]  }
0x1a: {  	s8 =	sadd.s32 $0xFFFFE003, lr  }
0x1b: {  	s9 =	sadd.s32 $0xFFFFFEF7, lr;
	s5 =	simm.s32 $0xFFFFFFFF;
	p2 =	slt.u32 s8, $0xFFFFF086  }
0x1c: {  	p1 =	slt.u32 s9, $0xF7A;
	s5 =	simm.s32 @!p2 $0x0  }
0x1d: {  	s5 =	simm.s32 @p1 $0x1;
	p0 =	seq.s32 s7, s2  }
0x1e: {  	s7 =	smul.u32 @!p0 $0xF7A, s2;
	p2 =	seq.s32 @!p0 s5, $0x0  }
0x1f: {  	s9 =	smul.u32 $0xF7A, s1;
	s8 =	simm.s32 @!p0 $0x1BF5;
	p2 =	por !p2, p0  }
0x20: {  	[sflag:s8] =	ssyncset.s32 @!p0 $0xFFFFF086;
	s6 =	sadd.s32 @!p0 s3, s7;
	s7 =	simm.s32 @!p0 $0x108  }
0x21: {  	s3 =	sadd.s32 s3, s9;
	s6 =	sadd.s32 @!p0 $0x88, s6;
	s7 =	simm.s32 @p2 $0x1082  }
0x22: {  	[simem:s7], [sflag:s8] =	dma.local @!p0 [hbm:s6], $0xF7A  }
0x23: {  	s9 =	sor.u32 $0xD0000000, s2;
	s6 =	simm.s32 $0x108;
	_ =	swait.ge @!p0 [sflag:s8], $0x0  }
0x24: {  	s3 =	sadd.s32 $0x88, s3;
	s6 =	simm.s32 @!p1 $0x1082;
	[sflag:s4] =	ssyncset.s32 $0xFFFFF086  }
0x25: {  	[simem:s6], [sflag:s4] =	dma.local [hbm:s3], $0xF7A  }
0x26: {  	[smem:$0x3F9F] =	sst s1;
	(tag) =	ssettag s2;
	_ =	strace s9  }
0x27: {  	s1 =	sld [smem:$0x3FAF]  }
0x28: {  	s2 =	sld [smem:$0x3FB0]  }
0x29: {  	s4 =	sld [smem:$0x3FB2]  }
0x2a: {  	p0 =	seq.s32 s5, $0x0;
	s5 =	sld [smem:$0x3FB3]  }
0x2b: {  	s6 =	sld [smem:$0x3FB4]  }
0x2c: {  	s7 =	sld [smem:$0x3FB5]  }
0x2d: {  	s3 =	simm.s32 $0x108;
	s8 =	sld [smem:$0x3FB6]  }
0x2e: {  	s3 =	simm.s32 @!p0 $0x1082;
	s9 =	sld [smem:$0x3FB7]  }
0x2f: {  	lr =	sadd.s32 s0, s3;
	s0 =	sld [smem:$0x3FAE]  }
0x30: {  	s3 =	sld [smem:$0x3FB1]  }
0x31: {  	[smem:$0x3FBA] =	sst s10  }
0x32: {  	s10 =	sld [smem:$0x3FB8];
	_ =	sdelay $0x3  }
0x33: {  	p0 =	seq.s32 s10, $0x1;
	s10 =	sld [smem:$0x3FBA];
	_ =	sdelay $0x3  }
0x34: {  	[smem:$0x3FBA] =	sst s10  }
0x35: {  	s10 =	sld [smem:$0x3FB9];
	_ =	sdelay $0x3  }
0x36: {  	p1 =	seq.s32 s10, $0x1;
	s10 =	sld [smem:$0x3FBA];
	_ =	sdelay $0x3  }
0x37: {  	[smem:$0x3FBA] =	sst s10  }
0x38: {  	s10 =	sld [smem:$0x3FBB]  }
0x39: {  	_ = 	snop;
	(pc) =	sbr.ind lr, $3  }
0x3a: {  	_ = 	snop  }
0x3b: {  	_ = 	snop  }
0x3c: {  	p2 =	seq.s32 s10, $0x1;
	s10 =	sld [smem:$0x3FBA]  }
0x3d: {  	_ =	shalt  }
0x3e: {  	_ =	shalt  }
0x3f: {  	_ =	shalt  }
0x40: {  	_ =	shalt  }
0x41: {  	_ =	shalt  }
0x42: {  	_ =	shalt  }
0x43: {  	_ =	shalt  }
0x44: {  	_ =	shalt  }
0x45: {  	_ =	shalt  }
0x46: {  	_ =	shalt  }
0x47: {  	_ =	shalt  }
0x48: {  	_ =	shalt  }
0x49: {  	_ =	shalt  }
0x4a: {  	_ =	shalt  }
0x4b: {  	_ =	shalt  }
0x4c: {  	_ =	shalt  }
0x4d: {  	_ =	shalt  }
0x4e: {  	_ =	shalt  }
0x4f: {  	_ =	shalt  }
0x50: {  	_ =	shalt  }
0x51: {  	_ =	shalt  }
0x52: {  	_ =	shalt  }
0x53: {  	_ =	shalt  }
0x54: {  	_ =	shalt  }
0x55: {  	_ =	shalt  }
0x56: {  	_ =	shalt  }
0x57: {  	_ =	shalt  }
0x58: {  	_ =	shalt  }
0x59: {  	_ =	shalt  }
0x5a: {  	_ =	shalt  }
0x5b: {  	_ =	shalt  }
0x5c: {  	_ =	shalt  }
0x5d: {  	_ =	shalt  }
0x5e: {  	_ =	shalt  }
0x5f: {  	_ =	shalt  }
0x60: {  	_ =	shalt  }
0x61: {  	_ =	shalt  }
0x62: {  	_ =	shalt  }
0x63: {  	_ =	shalt  }
0x64: {  	_ =	shalt  }
0x65: {  	_ =	shalt  }
0x66: {  	_ =	shalt  }
0x67: {  	_ =	shalt  }
0x68: {  	_ =	shalt  }
0x69: {  	_ =	shalt  }
0x6a: {  	_ =	shalt  }
0x6b: {  	_ =	shalt  }
0x6c: {  	_ =	shalt  }
0x6d: {  	_ =	shalt  }
0x6e: {  	_ =	shalt  }
0x6f: {  	_ =	shalt  }
0x70: {  	_ =	shalt  }
0x71: {  	_ =	shalt  }
0x72: {  	_ =	shalt  }
0x73: {  	_ =	shalt  }
0x74: {  	_ =	shalt  }
0x75: {  	_ =	shalt  }
0x76: {  	_ =	shalt  }
0x77: {  	_ =	shalt  }
0x78: {  	_ =	shalt  }
0x79: {  	_ =	shalt  }
0x7a: {  	_ =	shalt  }
0x7b: {  	_ =	shalt  }
0x7c: {  	_ =	shalt  }
0x7d: {  	_ =	shalt  }
0x7e: {  	_ =	shalt  }
0x7f: {  	_ =	shalt  }
0x80: {  	_ =	shalt  }
0x81: {  	_ =	shalt  }
0x82: {  	_ =	shalt  }
0x83: {  	_ =	shalt  }
0x84: {  	_ =	shalt  }
0x85: {  	_ =	shalt  }
0x86: {  	_ =	shalt  }
0x87: {  	_ =	shalt  }
.Lfunc_end0:
.L_simem_size_0:
called_computation_lowered:
.L_overlay_start_0:
0x88: {  	s2 =	sld [smem:$0x3FD9]  }
0x89: {  	s3 =	sld [smem:$0x3FFE];
	_ =	sdelay $0x1  }
0x8a: {  	s1 =	srdreg.scid  }
0x8b: {  	s0 =	sand.u32 $0x1, s1  }
0x8c: {  	s17 =	sshll.u32 s0, $0xA;
	s2 =	sadd.s32 s3, s2  }
0x8d: {  	s2 =	sadd.s32 s2, s17  }
0x8e: {  	[smem:$0x3FC6] =	sst s2  }
0x8f: {  	_ = 	snop  }
0x90: {  	s2 =	sld [smem:$0x3FD0];
	(tm) =	ssettm $0x1  }
0x91: {  	s18 =	sld [smem:$0x3FFB];
	_ =	sdelay $0x3  }
0x92: {  	_ =	strace s18  }
0x93: {  	s3 =	sld [smem:$0x3FFC];
	_ =	sdelay $0x3  }
0x94: {  	_ =	strace s3  }
0x95: {  	s3 =	sld [smem:$0x3FFD];
	_ =	sdelay $0x3  }
0x96: {  	_ =	strace s3  }
0x97: {  	_ =	strace $0x8FFFFFFF  }
0x98: {  	s19 =	sld [smem:$0x3FDB];
	_ =	sdelay $0x1  }
0x99: {  	s4 =	simm.s32 $_scs_section_size  }
0x9a: {  	s5 =	simm.s32 $_size__tile_overlayer_lowered;
	s6 =	simm.s32 $_tile_overlayer_lowered  }
0x9b: {  	s22 =	simm.s32 $0x1BFF;
	s21 =	sshll.u32 s6, $0x1;
	s3 =	sadd.s32 s4, s19  }
0x9c: {  	s7 =	simm.s32 $0x0;
	s20 =	sshll.u32 s5, $0x1;
	s5 =	sadd.s32 s21, s3  }
0x9d: {  	[timem:s7], [sflag:s22] =	dma.local [hbm:s5], s20  }
0x9e: {  	_ =	swait.ge [sflag:s22], s20  }
0x9f: {  	s4 =	ssub.s32 $0x0, s20;
	[sflag:s22] =	ssyncset.done $0x0  }
0xa0: {  	[sflag:s22] =	ssyncadd.s32 s4;
	_ =	sdelay $0x1  }
0xa1: {  	s23 =	simm.s32 $0x1B8B  }
0xa2: {  	_ =	swait.ge [sflag:s23], $0x1  }
0xa3: {  	[sflag:s23] =	ssyncset.done $0x0  }
0xa4: {  	s25 =	simm.s32 $0x1B8E;
	s24 =	sld [smem:$0x3FFE];
	[sflag:s23] =	ssyncadd.s32 $0xFFFFFFFF  }
0xa5: {  	s26 =	simm.s32 $execute0_lowered;
	[smem:$0x3FD2] =	sst s25  }
0xa6: {  	s5 =	sshll.u32 s26, $0x1;
	_ =	strace $0x80000046;
	[dreg:$0x1] =	wrdreg $0xFFFFFFFF  }
0xa7: {  	s28 =	simm.s32 $_size_execute0_lowered;
	s3 =	sadd.s32 s3, s5;
	[dreg:$0x0] =	wrdreg $0x0  }
0xa8: {  	s5 =	sshll.u32 s28, $0x1;
	[dreg:$0x2] =	wrdreg s3  }
0xa9: {  	[dreg:$0x3] =	wrdreg s5  }
0xaa: {  	[dreg:$0x4] =	wrdreg $0xC0  }
0xab: {  	_ =	task [dreg:s7], $0x5FFFF  }
0xac: {  	[dreg:$0x1] =	wrdreg $0xFFFFFFFF  }
0xad: {  	[dreg:$0x0] =	wrdreg $0x60  }
0xae: {  	[dreg:$0x2] =	wrdreg s24  }
0xaf: {  	[dreg:$0x3] =	wrdreg s2  }
0xb0: {  	[dreg:$0x4] =	wrdreg $0x9  }
0xb1: {  	_ =	task.clear_ibuf [dreg:s7], $0x5FFFF;
	_ =	strace $0x90000046  }
0xb2: {  	s29 =	simm.s32 $0x9;
	_ =	strace $0x80000048  }
0xb3: {  	_ =	swait.ge [sflag:s29], $0x1  }
0xb4: {  	[sflag:s29] =	ssyncadd.s32 $0xFFFFFFFF  }
0xb5: {  	_ =	strace $0x90000048  }
0xb6: {  	_ =	sfence  }
0xb7: {  	s30 =	sld [smem:$0x0];
	_ =	sdelay $0x2  }
0xb8: {  	s31 =	sshll.u32 s1, $0xD;
	s1 =	sshrl.u32 s1, $0x2  }
0xb9: {  	s3 =	sand.u32 $0x4000, s31;
	s1 =	sadd.s32 s1, s30  }
0xba: {  	s0 =	sor.u32 s3, s0;
	s1 =	sshll.u32 s1, $0x11  }
0xbb: {  	s0 =	sor.u32 s1, s0  }
0xbc: {  	s0 =	sadd.s32 $0x8F2B, s0  }
0xbd: {  	[sflag:s0] =	ssyncadd.remote.s32 $0x1  }
0xbe: {  	_ =	sfence.sel $0xFFFF  }
0xbf: {  	[dreg:$0x0] =	wrdreg $0xFFFFFFFF;
	(pc) =	sbr.abs _section_cstart, $3  }
0xc0: {  	[dreg:$0x1] =	wrdreg $0xFFFFFFFF  }
0xc1: {  	_ =	task.clear_ibuf [dreg:s7], $0x2FFFF;
	_ =	strace $0x9FFFFFFF  }
0xc2: {  	(tm) =	ssettm $0x7FFFFFFF  }
0xc3: {  	_ =	shalt  }
tec
execute0_lowered:
.L_overlay_start_1:
0x0: {  	(tag) =	ssettag $0x1  }
0x1: {  	s0 =	srdreg.scid;
	s5 =	stileid.u32  }
0x2: {  	s3 =	simm.s32 $0x1;
	s4 =	rddreg [dreg:$0x1];
	s7 =	simm.s32 $0x3  }
0x3: {  	s8 =	simm.s32 $0x2;
	s18 =	simm.s32 $0x1200;
	s19 =	simm.s32 $0x1A00  }
0x4: {  	s20 =	simm.s32 $0x2200;
	s21 =	simm.s32 $0x2A00;
	s22 =	simm.s32 $0x3200  }
0x5: {  	s28 =	simm.s32 $0x5200;
	s29 =	simm.s32 $0x5A00;
	s0 =	sand.u32 $0x1, s0  }
0x6: {  	s30 =	simm.s32 $0x6200;
	s2 =	sshll.u32 s5, $0xA;
	s1 =	sshll.u32 s0, $0x9  }
0x7: {  	s31 =	simm.s32 $0x6A00;
	s9 =	simm.s32 $0x8A00;
	s1 =	sor.u32 s1, s2  }
0x8: {  	s10 =	simm.s32 $0x9200;
	p1 =	seq.s32 s0, $0x1;
	p0 =	seq.s32 s1, $0x0  }
0x9: {  	s11 =	simm.s32 $0x9A00;
	s12 =	simm.s32 $0xA200;
	p0 =	por !p0, !p1  }
0xa: {  	s13 =	simm.s32 $0xAA00;
	s15 =	simm.s32 $0xBA00;
	p0 =	por !p0, !p0  }
0xb: {  	s16 =	simm.s32 $0x200;
	s6 =	sshll.u32 s0, $0x11;
	s3 =	simm.s32 @!p0 $0x0  }
0xc: {  	s0 =	ssub.s32 $0x2, s0;
	s2 =	rddreg [dreg:$0x0];
	s5 =	ssub.s32 s5, s3  }
0xd: {  	s23 =	sshrl.u32 s0, $0x1;
	s1 =	sshrl.u32 s1, $0x3;
	s5 =	sshll.u32 s5, $0x12  }
0xe: {  	s1 =	sadd.s32 s1, s2;
	s3 =	simm.s32 $0x0;
	s5 =	sor.u32 s6, s5  }
0xf: {  	s1 =	sadd.s32 $0x40000, s1;
	[smem:$0x7FF] =	sst s3;
	s5 =	sshrl.u32 s5, $0x3  }
0x10: {  	_ =	strace $0x80000047;
	[dreg:$0x3] =	wrdreg s1;
	s4 =	sadd.s32 s4, s5  }
0x11: {  	s0 =	ssub.s32 s0, s23;
	s24 =	sadd.s32 $0x1000, s4;
	[dreg:$0x7] =	wrdreg s4  }
0x12: {  	s23 =	simm.s32 $0x3A00;
	s25 =	sadd.s32 $0x2000, s4;
	[dreg:$0x4] =	wrdreg s24  }
0x13: {  	v2 =	vlaneseq.u32;
	s6 =	smax.u32 s0, $0x1;
	s26 =	sadd.s32 $0x3000, s4;
	[dreg:$0x5] =	wrdreg s25  }
0x14: {  	vm0 =	vmmov $0xffff;
	v1 =	vshrl.u32 v2, $0x3;
	s5 =	simm.s32 $0x8200;
	s4 =	simm.s32 $0x7A00;
	[dreg:$0x6] =	wrdreg s26  }
0x15: {  	v0 =	vand.u32 $0x7, v2;
	v2 =	vor.u32 $0x8, v2;
	v1 =	vmul.u32 $0x8, v1;
	s25 =	simm.s32 $0x4200;
	s26 =	simm.s32 $0x4A00;
	s24 =	simm.s32 $0xCA00  }
.LBB2_1:
0x16: {  	s17 =	rddreg [dreg:$0x3]  }
0x17: {  	[tilespmem:s3], [sflag:$0x3] =	stream.linear.gather [hbm4b:s17+s3], $0x200, $0x38;
	[tilespmem:$0x10200] =	vst v63  }
0x18: {  	_ =	swait.ge [sflag:s7], $0x200  }
0x19: {  	[sflag:s7] =	ssyncset.done $0x0  }
0x1a: {  	[sflag:s7] =	ssyncadd.s32 $0xFFFFFE00  }
0x1b: {  	v3 =	vld [tilespmem:$0x0];
	_ =	sdelay $0x4  }
0x1c: {  	v4 =	vshll.u32 v3, $0x1  }
0x1d: {  	v3 =	vand.u32 $0x7, v3;
	v4 =	vand.u32 $0xFFFFFFF0, v4  }
0x1e: {  	v3 =	vor.u32 v3, v4  }
0x1f: {  	v4 =	vperm.xlane v3, v0;
	_ =	sdelay $0x1  }
0x20: {  	v3 =	vperm.xlane v3, v2;
	v4 =	vadd.s32 v1, v4;
	_ =	sdelay $0x1  }
0x21: {  	v3 =	vadd.s32 v1, v3;
	_ =	sdelay $0x1  }
0x22: {  	s0 =	simm.s32 $0x200  }
0x23: {  	[tilespmem:s0], [sflag:$0x1] =	stream.indirect_vreg.gather [hbm4b:s2+s3], $0x80, v4, vm0, $0xb8;
	[tilespmem:$0x10200] =	vst v63  }
0x24: {  	s17 =	simm.s32 $0xA00  }
0x25: {  	[tilespmem:s17], [sflag:$0x1] =	stream.indirect_vreg.gather [hbm4b:s2+s3], $0x80, v3, vm0, $0xb8;
	[tilespmem:$0x10200] =	vst v63  }
0x26: {  	v3 =	vld [tilespmem:$0x10];
	_ =	sdelay $0x4  }
0x27: {  	v33 =	vshll.u32 v3, $0x1  }
0x28: {  	v3 =	vand.u32 $0x7, v3;
	v4 =	vand.u32 $0xFFFFFFF0, v33  }
0x29: {  	v3 =	vor.u32 v3, v4  }
0x2a: {  	v4 =	vperm.xlane v3, v0;
	_ =	sdelay $0x1  }
0x2b: {  	v3 =	vperm.xlane v3, v2;
	v4 =	vadd.s32 v1, v4;
	_ =	sdelay $0x1  }
0x2c: {  	v3 =	vadd.s32 v1, v3;
	_ =	sdelay $0x2  }
0x2d: {  	[tilespmem:s18], [sflag:$0x1] =	stream.indirect_vreg.gather [hbm4b:s2+s3], $0x80, v4, vm0, $0xb8;
	[tilespmem:$0x10200] =	vst v63  }
0x2e: {  	_ = 	snop  }
0x2f: {  	[tilespmem:s19], [sflag:$0x1] =	stream.indirect_vreg.gather [hbm4b:s2+s3], $0x80, v3, vm0, $0xb8;
	[tilespmem:$0x10200] =	vst v63  }
0x30: {  	v3 =	vld [tilespmem:$0x20];
	_ =	sdelay $0x4  }
0x31: {  	v34 =	vshll.u32 v3, $0x1  }
0x32: {  	v3 =	vand.u32 $0x7, v3;
	v4 =	vand.u32 $0xFFFFFFF0, v34  }
0x33: {  	v3 =	vor.u32 v3, v4  }
0x34: {  	v4 =	vperm.xlane v3, v0;
	_ =	sdelay $0x1  }
0x35: {  	v3 =	vperm.xlane v3, v2;
	v4 =	vadd.s32 v1, v4;
	_ =	sdelay $0x1  }
0x36: {  	v3 =	vadd.s32 v1, v3;
	_ =	sdelay $0x2  }
0x37: {  	[tilespmem:s20], [sflag:$0x1] =	stream.indirect_vreg.gather [hbm4b:s2+s3], $0x80, v4, vm0, $0xb8;
	[tilespmem:$0x10200] =	vst v63  }
0x38: {  	_ = 	snop  }
0x39: {  	[tilespmem:s21], [sflag:$0x1] =	stream.indirect_vreg.gather [hbm4b:s2+s3], $0x80, v3, vm0, $0xb8;
	[tilespmem:$0x10200] =	vst v63  }
0x3a: {  	v3 =	vld [tilespmem:$0x30];
	_ =	sdelay $0x4  }
0x3b: {  	v35 =	vshll.u32 v3, $0x1  }
0x3c: {  	v3 =	vand.u32 $0x7, v3;
	v4 =	vand.u32 $0xFFFFFFF0, v35  }
0x3d: {  	v3 =	vor.u32 v3, v4  }
0x3e: {  	v4 =	vperm.xlane v3, v0;
	_ =	sdelay $0x1  }
0x3f: {  	v3 =	vperm.xlane v3, v2;
	v4 =	vadd.s32 v1, v4;
	_ =	sdelay $0x1  }
0x40: {  	v3 =	vadd.s32 v1, v3;
	_ =	sdelay $0x2  }
0x41: {  	[tilespmem:s22], [sflag:$0x1] =	stream.indirect_vreg.gather [hbm4b:s2+s3], $0x80, v4, vm0, $0xb8;
	[tilespmem:$0x10200] =	vst v63  }
0x42: {  	_ = 	snop  }
0x43: {  	[tilespmem:s23], [sflag:$0x1] =	stream.indirect_vreg.gather [hbm4b:s2+s3], $0x80, v3, vm0, $0xb8;
	[tilespmem:$0x10200] =	vst v63  }
0x44: {  	v3 =	vld [tilespmem:$0x40];
	_ =	sdelay $0x4  }
0x45: {  	v36 =	vshll.u32 v3, $0x1  }
0x46: {  	v3 =	vand.u32 $0x7, v3;
	v4 =	vand.u32 $0xFFFFFFF0, v36  }
0x47: {  	v3 =	vor.u32 v3, v4  }
0x48: {  	v4 =	vperm.xlane v3, v0;
	_ =	sdelay $0x1  }
0x49: {  	v3 =	vperm.xlane v3, v2;
	v4 =	vadd.s32 v1, v4;
	_ =	sdelay $0x1  }
0x4a: {  	v3 =	vadd.s32 v1, v3;
	_ =	sdelay $0x2  }
0x4b: {  	[tilespmem:s25], [sflag:$0x1] =	stream.indirect_vreg.gather [hbm4b:s2+s3], $0x80, v4, vm0, $0xb8;
	[tilespmem:$0x10200] =	vst v63  }
0x4c: {  	_ = 	snop  }
0x4d: {  	[tilespmem:s26], [sflag:$0x1] =	stream.indirect_vreg.gather [hbm4b:s2+s3], $0x80, v3, vm0, $0xb8;
	[tilespmem:$0x10200] =	vst v63  }
0x4e: {  	v3 =	vld [tilespmem:$0x50];
	_ =	sdelay $0x4  }
0x4f: {  	v37 =	vshll.u32 v3, $0x1  }
0x50: {  	v3 =	vand.u32 $0x7, v3;
	v4 =	vand.u32 $0xFFFFFFF0, v37  }
0x51: {  	v3 =	vor.u32 v3, v4  }
0x52: {  	v4 =	vperm.xlane v3, v0;
	_ =	sdelay $0x1  }
0x53: {  	v3 =	vperm.xlane v3, v2;
	v4 =	vadd.s32 v1, v4;
	_ =	sdelay $0x1  }
0x54: {  	v3 =	vadd.s32 v1, v3;
	_ =	sdelay $0x2  }
0x55: {  	[tilespmem:s28], [sflag:$0x1] =	stream.indirect_vreg.gather [hbm4b:s2+s3], $0x80, v4, vm0, $0xb8;
	[tilespmem:$0x10200] =	vst v63  }
0x56: {  	_ = 	snop  }
0x57: {  	[tilespmem:s29], [sflag:$0x1] =	stream.indirect_vreg.gather [hbm4b:s2+s3], $0x80, v3, vm0, $0xb8;
	[tilespmem:$0x10200] =	vst v63  }
0x58: {  	v3 =	vld [tilespmem:$0x60];
	_ =	sdelay $0x4  }
0x59: {  	v38 =	vshll.u32 v3, $0x1  }
0x5a: {  	v3 =	vand.u32 $0x7, v3;
	v4 =	vand.u32 $0xFFFFFFF0, v38  }
0x5b: {  	v3 =	vor.u32 v3, v4  }
0x5c: {  	v4 =	vperm.xlane v3, v0;
	_ =	sdelay $0x1  }
0x5d: {  	v3 =	vperm.xlane v3, v2;
	v4 =	vadd.s32 v1, v4;
	_ =	sdelay $0x1  }
0x5e: {  	v3 =	vadd.s32 v1, v3;
	_ =	sdelay $0x2  }
0x5f: {  	[tilespmem:s30], [sflag:$0x1] =	stream.indirect_vreg.gather [hbm4b:s2+s3], $0x80, v4, vm0, $0xb8;
	[tilespmem:$0x10200] =	vst v63  }
0x60: {  	_ = 	snop  }
0x61: {  	[tilespmem:s31], [sflag:$0x1] =	stream.indirect_vreg.gather [hbm4b:s2+s3], $0x80, v3, vm0, $0xb8;
	[tilespmem:$0x10200] =	vst v63  }
0x62: {  	v3 =	vld [tilespmem:$0x70];
	_ =	sdelay $0x4  }
0x63: {  	v39 =	vshll.u32 v3, $0x1  }
0x64: {  	v3 =	vand.u32 $0x7, v3;
	v4 =	vand.u32 $0xFFFFFFF0, v39  }
0x65: {  	v3 =	vor.u32 v3, v4  }
0x66: {  	v4 =	vperm.xlane v3, v0;
	_ =	sdelay $0x1  }
0x67: {  	v3 =	vperm.xlane v3, v2;
	v4 =	vadd.s32 v1, v4;
	_ =	sdelay $0x1  }
0x68: {  	v3 =	vadd.s32 v1, v3;
	_ =	sdelay $0x1  }
0x69: {  	s1 =	simm.s32 $0x7200  }
0x6a: {  	[tilespmem:s1], [sflag:$0x1] =	stream.indirect_vreg.gather [hbm4b:s2+s3], $0x80, v4, vm0, $0xb8;
	[tilespmem:$0x10200] =	vst v63  }
0x6b: {  	_ = 	snop  }
0x6c: {  	[tilespmem:s4], [sflag:$0x1] =	stream.indirect_vreg.gather [hbm4b:s2+s3], $0x80, v3, vm0, $0xb8;
	[tilespmem:$0x10200] =	vst v63  }
0x6d: {  	v3 =	vld [tilespmem:$0x80];
	_ =	sdelay $0x4  }
0x6e: {  	v40 =	vshll.u32 v3, $0x1  }
0x6f: {  	v3 =	vand.u32 $0x7, v3;
	v4 =	vand.u32 $0xFFFFFFF0, v40  }
0x70: {  	v3 =	vor.u32 v3, v4  }
0x71: {  	v4 =	vperm.xlane v3, v0;
	_ =	sdelay $0x1  }
0x72: {  	v3 =	vperm.xlane v3, v2;
	v4 =	vadd.s32 v1, v4;
	_ =	sdelay $0x1  }
0x73: {  	v3 =	vadd.s32 v1, v3;
	_ =	sdelay $0x2  }
0x74: {  	[tilespmem:s5], [sflag:$0x2] =	stream.indirect_vreg.gather [hbm4b:s2+s3], $0x80, v4, vm0, $0xb8;
	[tilespmem:$0x10200] =	vst v63  }
0x75: {  	_ = 	snop  }
0x76: {  	[tilespmem:s9], [sflag:$0x2] =	stream.indirect_vreg.gather [hbm4b:s2+s3], $0x80, v3, vm0, $0xb8;
	[tilespmem:$0x10200] =	vst v63  }
0x77: {  	v3 =	vld [tilespmem:$0x90];
	_ =	sdelay $0x4  }
0x78: {  	v41 =	vshll.u32 v3, $0x1  }
0x79: {  	v3 =	vand.u32 $0x7, v3;
	v4 =	vand.u32 $0xFFFFFFF0, v41  }
0x7a: {  	v3 =	vor.u32 v3, v4  }
0x7b: {  	v4 =	vperm.xlane v3, v0;
	_ =	sdelay $0x1  }
0x7c: {  	v3 =	vperm.xlane v3, v2;
	v4 =	vadd.s32 v1, v4;
	_ =	sdelay $0x1  }
0x7d: {  	v3 =	vadd.s32 v1, v3;
	_ =	sdelay $0x2  }
0x7e: {  	[tilespmem:s10], [sflag:$0x2] =	stream.indirect_vreg.gather [hbm4b:s2+s3], $0x80, v4, vm0, $0xb8;
	[tilespmem:$0x10200] =	vst v63  }
0x7f: {  	_ = 	snop  }
0x80: {  	[tilespmem:s11], [sflag:$0x2] =	stream.indirect_vreg.gather [hbm4b:s2+s3], $0x80, v3, vm0, $0xb8;
	[tilespmem:$0x10200] =	vst v63  }
0x81: {  	v3 =	vld [tilespmem:$0xA0];
	_ =	sdelay $0x4  }
0x82: {  	v42 =	vshll.u32 v3, $0x1  }
0x83: {  	v3 =	vand.u32 $0x7, v3;
	v4 =	vand.u32 $0xFFFFFFF0, v42  }
0x84: {  	v3 =	vor.u32 v3, v4  }
0x85: {  	v4 =	vperm.xlane v3, v0;
	_ =	sdelay $0x1  }
0x86: {  	v3 =	vperm.xlane v3, v2;
	v4 =	vadd.s32 v1, v4;
	_ =	sdelay $0x1  }
0x87: {  	v3 =	vadd.s32 v1, v3;
	_ =	sdelay $0x2  }
0x88: {  	[tilespmem:s12], [sflag:$0x2] =	stream.indirect_vreg.gather [hbm4b:s2+s3], $0x80, v4, vm0, $0xb8;
	[tilespmem:$0x10200] =	vst v63  }
0x89: {  	_ = 	snop  }
0x8a: {  	[tilespmem:s13], [sflag:$0x2] =	stream.indirect_vreg.gather [hbm4b:s2+s3], $0x80, v3, vm0, $0xb8;
	[tilespmem:$0x10200] =	vst v63  }
0x8b: {  	v3 =	vld [tilespmem:$0xB0];
	_ =	sdelay $0x4  }
0x8c: {  	v43 =	vshll.u32 v3, $0x1  }
0x8d: {  	v3 =	vand.u32 $0x7, v3;
	v4 =	vand.u32 $0xFFFFFFF0, v43  }
0x8e: {  	v3 =	vor.u32 v3, v4  }
0x8f: {  	v4 =	vperm.xlane v3, v0;
	_ =	sdelay $0x1  }
0x90: {  	v3 =	vperm.xlane v3, v2;
	v4 =	vadd.s32 v1, v4;
	_ =	sdelay $0x1  }
0x91: {  	v3 =	vadd.s32 v1, v3;
	_ =	sdelay $0x1  }
0x92: {  	s14 =	simm.s32 $0xB200  }
0x93: {  	[tilespmem:s14], [sflag:$0x2] =	stream.indirect_vreg.gather [hbm4b:s2+s3], $0x80, v4, vm0, $0xb8;
	[tilespmem:$0x10200] =	vst v63  }
0x94: {  	_ = 	snop  }
0x95: {  	[tilespmem:s15], [sflag:$0x2] =	stream.indirect_vreg.gather [hbm4b:s2+s3], $0x80, v3, vm0, $0xb8;
	[tilespmem:$0x10200] =	vst v63  }
0x96: {  	v3 =	vld [tilespmem:$0xC0];
	_ =	sdelay $0x4  }
0x97: {  	v44 =	vshll.u32 v3, $0x1  }
0x98: {  	v3 =	vand.u32 $0x7, v3;
	v4 =	vand.u32 $0xFFFFFFF0, v44  }
0x99: {  	v3 =	vor.u32 v3, v4  }
0x9a: {  	v4 =	vperm.xlane v3, v0;
	_ =	sdelay $0x1  }
0x9b: {  	v3 =	vperm.xlane v3, v2;
	v4 =	vadd.s32 v1, v4;
	_ =	sdelay $0x1  }
0x9c: {  	v3 =	vadd.s32 v1, v3;
	_ =	sdelay $0x1  }
0x9d: {  	s14 =	simm.s32 $0xC200  }
0x9e: {  	[tilespmem:s14], [sflag:$0x2] =	stream.indirect_vreg.gather [hbm4b:s2+s3], $0x80, v4, vm0, $0xb8;
	[tilespmem:$0x10200] =	vst v63  }
0x9f: {  	_ = 	snop  }
0xa0: {  	[tilespmem:s24], [sflag:$0x2] =	stream.indirect_vreg.gather [hbm4b:s2+s3], $0x80, v3, vm0, $0xb8;
	[tilespmem:$0x10200] =	vst v63  }
0xa1: {  	v3 =	vld [tilespmem:$0xD0];
	_ =	sdelay $0x4  }
0xa2: {  	v45 =	vshll.u32 v3, $0x1  }
0xa3: {  	v3 =	vand.u32 $0x7, v3;
	v4 =	vand.u32 $0xFFFFFFF0, v45  }
0xa4: {  	v3 =	vor.u32 v3, v4  }
0xa5: {  	v4 =	vperm.xlane v3, v0;
	_ =	sdelay $0x1  }
0xa6: {  	v3 =	vperm.xlane v3, v2;
	v4 =	vadd.s32 v1, v4;
	_ =	sdelay $0x1  }
0xa7: {  	v3 =	vadd.s32 v1, v3;
	_ =	sdelay $0x1  }
0xa8: {  	s14 =	simm.s32 $0xD200  }
0xa9: {  	[tilespmem:s14], [sflag:$0x2] =	stream.indirect_vreg.gather [hbm4b:s2+s3], $0x80, v4, vm0, $0xb8;
	[tilespmem:$0x10200] =	vst v63  }
0xaa: {  	s14 =	simm.s32 $0xDA00  }
0xab: {  	[tilespmem:s14], [sflag:$0x2] =	stream.indirect_vreg.gather [hbm4b:s2+s3], $0x80, v3, vm0, $0xb8;
	[tilespmem:$0x10200] =	vst v63  }
0xac: {  	v3 =	vld [tilespmem:$0xE0];
	_ =	sdelay $0x4  }
0xad: {  	v46 =	vshll.u32 v3, $0x1  }
0xae: {  	v3 =	vand.u32 $0x7, v3;
	v4 =	vand.u32 $0xFFFFFFF0, v46  }
0xaf: {  	v3 =	vor.u32 v3, v4  }
0xb0: {  	v4 =	vperm.xlane v3, v0;
	_ =	sdelay $0x1  }
0xb1: {  	v3 =	vperm.xlane v3, v2;
	v4 =	vadd.s32 v1, v4;
	_ =	sdelay $0x1  }
0xb2: {  	v3 =	vadd.s32 v1, v3;
	_ =	sdelay $0x1  }
0xb3: {  	s14 =	simm.s32 $0xE200  }
0xb4: {  	[tilespmem:s14], [sflag:$0x2] =	stream.indirect_vreg.gather [hbm4b:s2+s3], $0x80, v4, vm0, $0xb8;
	[tilespmem:$0x10200] =	vst v63  }
0xb5: {  	s14 =	simm.s32 $0xEA00  }
0xb6: {  	[tilespmem:s14], [sflag:$0x2] =	stream.indirect_vreg.gather [hbm4b:s2+s3], $0x80, v3, vm0, $0xb8;
	[tilespmem:$0x10200] =	vst v63  }
0xb7: {  	v3 =	vld [tilespmem:$0xF0];
	_ =	sdelay $0x4  }
0xb8: {  	v47 =	vshll.u32 v3, $0x1  }
0xb9: {  	v3 =	vand.u32 $0x7, v3;
	v4 =	vand.u32 $0xFFFFFFF0, v47  }
0xba: {  	v3 =	vor.u32 v3, v4  }
0xbb: {  	v4 =	vperm.xlane v3, v0;
	_ =	sdelay $0x1  }
0xbc: {  	v3 =	vperm.xlane v3, v2;
	v4 =	vadd.s32 v1, v4;
	_ =	sdelay $0x1  }
0xbd: {  	v3 =	vadd.s32 v1, v3;
	_ =	sdelay $0x1  }
0xbe: {  	s14 =	simm.s32 $0xF200  }
0xbf: {  	[tilespmem:s14], [sflag:$0x2] =	stream.indirect_vreg.gather [hbm4b:s2+s3], $0x80, v4, vm0, $0xb8;
	[tilespmem:$0x10200] =	vst v63  }
0xc0: {  	s0 =	simm.s32 $0x1;
	s14 =	simm.s32 $0xFA00  }
0xc1: {  	[tilespmem:s14], [sflag:$0x2] =	stream.indirect_vreg.gather [hbm4b:s2+s3], $0x80, v3, vm0, $0xb8;
	[tilespmem:$0x10200] =	vst v63  }
0xc2: {  	_ =	swait.ge [sflag:s0], $0x8000  }
0xc3: {  	[sflag:s0] =	ssyncset.done $0x0  }
0xc4: {  	s14 =	rddreg [dreg:$0x7];
	[sflag:s0] =	ssyncadd.s32 $0xFFFF8000  }
0xc5: {  	[hbm4b:s14+s3] =	stream.linear.scatter [tilespmem:s16], [sflag:$0x3], $0x8000, $0x38;
	[tilespmem:$0x10200] =	vst v63  }
0xc6: {  	_ =	swait.ge [sflag:s7], $0x8000  }
0xc7: {  	[sflag:s7] =	ssyncset.done $0x0  }
0xc8: {  	[sflag:s7] =	ssyncadd.s32 $0xFFFF8000  }
0xc9: {  	v3 =	vld [tilespmem:$0x100];
	_ =	sdelay $0x4  }
0xca: {  	v48 =	vshll.u32 v3, $0x1  }
0xcb: {  	v3 =	vand.u32 $0x7, v3;
	v4 =	vand.u32 $0xFFFFFFF0, v48  }
0xcc: {  	v3 =	vor.u32 v3, v4  }
0xcd: {  	v4 =	vperm.xlane v3, v0;
	_ =	sdelay $0x1  }
0xce: {  	v3 =	vperm.xlane v3, v2;
	v4 =	vadd.s32 v1, v4;
	_ =	sdelay $0x1  }
0xcf: {  	v3 =	vadd.s32 v1, v3;
	_ =	sdelay $0x2  }
0xd0: {  	[tilespmem:s16], [sflag:$0x1] =	stream.indirect_vreg.gather [hbm4b:s2+s3], $0x80, v4, vm0, $0xb8;
	[tilespmem:$0x10200] =	vst v63  }
0xd1: {  	_ = 	snop  }
0xd2: {  	[tilespmem:s17], [sflag:$0x1] =	stream.indirect_vreg.gather [hbm4b:s2+s3], $0x80, v3, vm0, $0xb8;
	[tilespmem:$0x10200] =	vst v63  }
0xd3: {  	v3 =	vld [tilespmem:$0x110];
	_ =	sdelay $0x4  }
0xd4: {  	v49 =	vshll.u32 v3, $0x1  }
0xd5: {  	v3 =	vand.u32 $0x7, v3;
	v4 =	vand.u32 $0xFFFFFFF0, v49  }
0xd6: {  	v3 =	vor.u32 v3, v4  }
0xd7: {  	v4 =	vperm.xlane v3, v0;
	_ =	sdelay $0x1  }
0xd8: {  	v3 =	vperm.xlane v3, v2;
	v4 =	vadd.s32 v1, v4;
	_ =	sdelay $0x1  }
0xd9: {  	v3 =	vadd.s32 v1, v3;
	_ =	sdelay $0x2  }
0xda: {  	[tilespmem:s18], [sflag:$0x1] =	stream.indirect_vreg.gather [hbm4b:s2+s3], $0x80, v4, vm0, $0xb8;
	[tilespmem:$0x10200] =	vst v63  }
0xdb: {  	_ = 	snop  }
0xdc: {  	[tilespmem:s19], [sflag:$0x1] =	stream.indirect_vreg.gather [hbm4b:s2+s3], $0x80, v3, vm0, $0xb8;
	[tilespmem:$0x10200] =	vst v63  }
0xdd: {  	v3 =	vld [tilespmem:$0x120];
	_ =	sdelay $0x4  }
0xde: {  	v50 =	vshll.u32 v3, $0x1  }
0xdf: {  	v3 =	vand.u32 $0x7, v3;
	v4 =	vand.u32 $0xFFFFFFF0, v50  }
0xe0: {  	v3 =	vor.u32 v3, v4  }
0xe1: {  	v4 =	vperm.xlane v3, v0;
	_ =	sdelay $0x1  }
0xe2: {  	v3 =	vperm.xlane v3, v2;
	v4 =	vadd.s32 v1, v4;
	_ =	sdelay $0x1  }
0xe3: {  	v3 =	vadd.s32 v1, v3;
	_ =	sdelay $0x2  }
0xe4: {  	[tilespmem:s20], [sflag:$0x1] =	stream.indirect_vreg.gather [hbm4b:s2+s3], $0x80, v4, vm0, $0xb8;
	[tilespmem:$0x10200] =	vst v63  }
0xe5: {  	_ = 	snop  }
0xe6: {  	[tilespmem:s21], [sflag:$0x1] =	stream.indirect_vreg.gather [hbm4b:s2+s3], $0x80, v3, vm0, $0xb8;
	[tilespmem:$0x10200] =	vst v63  }
0xe7: {  	v3 =	vld [tilespmem:$0x130];
	_ =	sdelay $0x4  }
0xe8: {  	v51 =	vshll.u32 v3, $0x1  }
0xe9: {  	v3 =	vand.u32 $0x7, v3;
	v4 =	vand.u32 $0xFFFFFFF0, v51  }
0xea: {  	v3 =	vor.u32 v3, v4  }
0xeb: {  	v4 =	vperm.xlane v3, v0;
	_ =	sdelay $0x1  }
0xec: {  	v3 =	vperm.xlane v3, v2;
	v4 =	vadd.s32 v1, v4;
	_ =	sdelay $0x1  }
0xed: {  	v3 =	vadd.s32 v1, v3;
	_ =	sdelay $0x2  }
0xee: {  	[tilespmem:s22], [sflag:$0x1] =	stream.indirect_vreg.gather [hbm4b:s2+s3], $0x80, v4, vm0, $0xb8;
	[tilespmem:$0x10200] =	vst v63  }
0xef: {  	_ = 	snop  }
0xf0: {  	[tilespmem:s23], [sflag:$0x1] =	stream.indirect_vreg.gather [hbm4b:s2+s3], $0x80, v3, vm0, $0xb8;
	[tilespmem:$0x10200] =	vst v63  }
0xf1: {  	v3 =	vld [tilespmem:$0x140];
	_ =	sdelay $0x4  }
0xf2: {  	v52 =	vshll.u32 v3, $0x1  }
0xf3: {  	v3 =	vand.u32 $0x7, v3;
	v4 =	vand.u32 $0xFFFFFFF0, v52  }
0xf4: {  	v3 =	vor.u32 v3, v4  }
0xf5: {  	v4 =	vperm.xlane v3, v0;
	_ =	sdelay $0x1  }
0xf6: {  	v3 =	vperm.xlane v3, v2;
	v4 =	vadd.s32 v1, v4;
	_ =	sdelay $0x1  }
0xf7: {  	v3 =	vadd.s32 v1, v3;
	_ =	sdelay $0x2  }
0xf8: {  	[tilespmem:s25], [sflag:$0x1] =	stream.indirect_vreg.gather [hbm4b:s2+s3], $0x80, v4, vm0, $0xb8;
	[tilespmem:$0x10200] =	vst v63  }
0xf9: {  	_ = 	snop  }
0xfa: {  	[tilespmem:s26], [sflag:$0x1] =	stream.indirect_vreg.gather [hbm4b:s2+s3], $0x80, v3, vm0, $0xb8;
	[tilespmem:$0x10200] =	vst v63  }
0xfb: {  	v3 =	vld [tilespmem:$0x150];
	_ =	sdelay $0x4  }
0xfc: {  	v53 =	vshll.u32 v3, $0x1  }
0xfd: {  	v3 =	vand.u32 $0x7, v3;
	v4 =	vand.u32 $0xFFFFFFF0, v53  }
0xfe: {  	v3 =	vor.u32 v3, v4  }
0xff: {  	v4 =	vperm.xlane v3, v0;
	_ =	sdelay $0x1  }
0x100: {  	v3 =	vperm.xlane v3, v2;
	v4 =	vadd.s32 v1, v4;
	_ =	sdelay $0x1  }
0x101: {  	v3 =	vadd.s32 v1, v3;
	_ =	sdelay $0x2  }
0x102: {  	[tilespmem:s28], [sflag:$0x1] =	stream.indirect_vreg.gather [hbm4b:s2+s3], $0x80, v4, vm0, $0xb8;
	[tilespmem:$0x10200] =	vst v63  }
0x103: {  	_ = 	snop  }
0x104: {  	[tilespmem:s29], [sflag:$0x1] =	stream.indirect_vreg.gather [hbm4b:s2+s3], $0x80, v3, vm0, $0xb8;
	[tilespmem:$0x10200] =	vst v63  }
0x105: {  	v3 =	vld [tilespmem:$0x160];
	_ =	sdelay $0x4  }
0x106: {  	v54 =	vshll.u32 v3, $0x1  }
0x107: {  	v3 =	vand.u32 $0x7, v3;
	v4 =	vand.u32 $0xFFFFFFF0, v54  }
0x108: {  	v3 =	vor.u32 v3, v4  }
0x109: {  	v4 =	vperm.xlane v3, v0;
	_ =	sdelay $0x1  }
0x10a: {  	v3 =	vperm.xlane v3, v2;
	v4 =	vadd.s32 v1, v4;
	_ =	sdelay $0x1  }
0x10b: {  	v3 =	vadd.s32 v1, v3;
	_ =	sdelay $0x2  }
0x10c: {  	[tilespmem:s30], [sflag:$0x1] =	stream.indirect_vreg.gather [hbm4b:s2+s3], $0x80, v4, vm0, $0xb8;
	[tilespmem:$0x10200] =	vst v63  }
0x10d: {  	_ = 	snop  }
0x10e: {  	[tilespmem:s31], [sflag:$0x1] =	stream.indirect_vreg.gather [hbm4b:s2+s3], $0x80, v3, vm0, $0xb8;
	[tilespmem:$0x10200] =	vst v63  }
0x10f: {  	v3 =	vld [tilespmem:$0x170];
	_ =	sdelay $0x4  }
0x110: {  	v55 =	vshll.u32 v3, $0x1  }
0x111: {  	v3 =	vand.u32 $0x7, v3;
	v4 =	vand.u32 $0xFFFFFFF0, v55  }
0x112: {  	v3 =	vor.u32 v3, v4  }
0x113: {  	v4 =	vperm.xlane v3, v0;
	_ =	sdelay $0x1  }
0x114: {  	v3 =	vperm.xlane v3, v2;
	v4 =	vadd.s32 v1, v4;
	_ =	sdelay $0x1  }
0x115: {  	v3 =	vadd.s32 v1, v3;
	_ =	sdelay $0x2  }
0x116: {  	[tilespmem:s1], [sflag:$0x1] =	stream.indirect_vreg.gather [hbm4b:s2+s3], $0x80, v4, vm0, $0xb8;
	[tilespmem:$0x10200] =	vst v63  }
0x117: {  	_ = 	snop  }
0x118: {  	[tilespmem:s4], [sflag:$0x1] =	stream.indirect_vreg.gather [hbm4b:s2+s3], $0x80, v3, vm0, $0xb8;
	[tilespmem:$0x10200] =	vst v63  }
0x119: {  	_ =	swait.ge [sflag:s8], $0x8000  }
0x11a: {  	[sflag:s8] =	ssyncset.done $0x0  }
0x11b: {  	s1 =	rddreg [dreg:$0x4];
	[sflag:s8] =	ssyncadd.s32 $0xFFFF8000  }
0x11c: {  	[hbm4b:s1+s3] =	stream.linear.scatter [tilespmem:s5], [sflag:$0x3], $0x8000, $0x38;
	[tilespmem:$0x10200] =	vst v63  }
0x11d: {  	_ =	swait.ge [sflag:s7], $0x8000  }
0x11e: {  	[sflag:s7] =	ssyncset.done $0x0  }
0x11f: {  	[sflag:s7] =	ssyncadd.s32 $0xFFFF8000  }
0x120: {  	v3 =	vld [tilespmem:$0x180];
	_ =	sdelay $0x4  }
0x121: {  	v56 =	vshll.u32 v3, $0x1  }
0x122: {  	v3 =	vand.u32 $0x7, v3;
	v4 =	vand.u32 $0xFFFFFFF0, v56  }
0x123: {  	v3 =	vor.u32 v3, v4  }
0x124: {  	v4 =	vperm.xlane v3, v0;
	_ =	sdelay $0x1  }
0x125: {  	v3 =	vperm.xlane v3, v2;
	v4 =	vadd.s32 v1, v4;
	_ =	sdelay $0x1  }
0x126: {  	v3 =	vadd.s32 v1, v3;
	_ =	sdelay $0x2  }
0x127: {  	[tilespmem:s5], [sflag:$0x2] =	stream.indirect_vreg.gather [hbm4b:s2+s3], $0x80, v4, vm0, $0xb8;
	[tilespmem:$0x10200] =	vst v63  }
0x128: {  	_ = 	snop  }
0x129: {  	[tilespmem:s9], [sflag:$0x2] =	stream.indirect_vreg.gather [hbm4b:s2+s3], $0x80, v3, vm0, $0xb8;
	[tilespmem:$0x10200] =	vst v63  }
0x12a: {  	v3 =	vld [tilespmem:$0x190];
	_ =	sdelay $0x4  }
0x12b: {  	v57 =	vshll.u32 v3, $0x1  }
0x12c: {  	v3 =	vand.u32 $0x7, v3;
	v4 =	vand.u32 $0xFFFFFFF0, v57  }
0x12d: {  	v3 =	vor.u32 v3, v4  }
0x12e: {  	v4 =	vperm.xlane v3, v0;
	_ =	sdelay $0x1  }
0x12f: {  	v3 =	vperm.xlane v3, v2;
	v4 =	vadd.s32 v1, v4;
	_ =	sdelay $0x1  }
0x130: {  	v3 =	vadd.s32 v1, v3;
	_ =	sdelay $0x2  }
0x131: {  	[tilespmem:s10], [sflag:$0x2] =	stream.indirect_vreg.gather [hbm4b:s2+s3], $0x80, v4, vm0, $0xb8;
	[tilespmem:$0x10200] =	vst v63  }
0x132: {  	_ = 	snop  }
0x133: {  	[tilespmem:s11], [sflag:$0x2] =	stream.indirect_vreg.gather [hbm4b:s2+s3], $0x80, v3, vm0, $0xb8;
	[tilespmem:$0x10200] =	vst v63  }
0x134: {  	v3 =	vld [tilespmem:$0x1A0];
	_ =	sdelay $0x4  }
0x135: {  	v58 =	vshll.u32 v3, $0x1  }
0x136: {  	v3 =	vand.u32 $0x7, v3;
	v4 =	vand.u32 $0xFFFFFFF0, v58  }
0x137: {  	v3 =	vor.u32 v3, v4  }
0x138: {  	v4 =	vperm.xlane v3, v0;
	_ =	sdelay $0x1  }
0x139: {  	v3 =	vperm.xlane v3, v2;
	v4 =	vadd.s32 v1, v4;
	_ =	sdelay $0x1  }
0x13a: {  	v3 =	vadd.s32 v1, v3;
	_ =	sdelay $0x2  }
0x13b: {  	[tilespmem:s12], [sflag:$0x2] =	stream.indirect_vreg.gather [hbm4b:s2+s3], $0x80, v4, vm0, $0xb8;
	[tilespmem:$0x10200] =	vst v63  }
0x13c: {  	_ = 	snop  }
0x13d: {  	[tilespmem:s13], [sflag:$0x2] =	stream.indirect_vreg.gather [hbm4b:s2+s3], $0x80, v3, vm0, $0xb8;
	[tilespmem:$0x10200] =	vst v63  }
0x13e: {  	v3 =	vld [tilespmem:$0x1B0];
	_ =	sdelay $0x4  }
0x13f: {  	v59 =	vshll.u32 v3, $0x1  }
0x140: {  	v3 =	vand.u32 $0x7, v3;
	v4 =	vand.u32 $0xFFFFFFF0, v59  }
0x141: {  	v3 =	vor.u32 v3, v4  }
0x142: {  	v4 =	vperm.xlane v3, v0;
	_ =	sdelay $0x1  }
0x143: {  	v3 =	vperm.xlane v3, v2;
	v4 =	vadd.s32 v1, v4;
	_ =	sdelay $0x1  }
0x144: {  	v3 =	vadd.s32 v1, v3;
	_ =	sdelay $0x1  }
0x145: {  	s17 =	simm.s32 $0xB200  }
0x146: {  	[tilespmem:s17], [sflag:$0x2] =	stream.indirect_vreg.gather [hbm4b:s2+s3], $0x80, v4, vm0, $0xb8;
	[tilespmem:$0x10200] =	vst v63  }
0x147: {  	_ = 	snop  }
0x148: {  	[tilespmem:s15], [sflag:$0x2] =	stream.indirect_vreg.gather [hbm4b:s2+s3], $0x80, v3, vm0, $0xb8;
	[tilespmem:$0x10200] =	vst v63  }
0x149: {  	v3 =	vld [tilespmem:$0x1C0];
	_ =	sdelay $0x4  }
0x14a: {  	v60 =	vshll.u32 v3, $0x1  }
0x14b: {  	v3 =	vand.u32 $0x7, v3;
	v4 =	vand.u32 $0xFFFFFFF0, v60  }
0x14c: {  	v3 =	vor.u32 v3, v4  }
0x14d: {  	v4 =	vperm.xlane v3, v0;
	_ =	sdelay $0x1  }
0x14e: {  	v3 =	vperm.xlane v3, v2;
	v4 =	vadd.s32 v1, v4;
	_ =	sdelay $0x1  }
0x14f: {  	v3 =	vadd.s32 v1, v3;
	_ =	sdelay $0x1  }
0x150: {  	s17 =	simm.s32 $0xC200  }
0x151: {  	[tilespmem:s17], [sflag:$0x2] =	stream.indirect_vreg.gather [hbm4b:s2+s3], $0x80, v4, vm0, $0xb8;
	[tilespmem:$0x10200] =	vst v63  }
0x152: {  	_ = 	snop  }
0x153: {  	[tilespmem:s24], [sflag:$0x2] =	stream.indirect_vreg.gather [hbm4b:s2+s3], $0x80, v3, vm0, $0xb8;
	[tilespmem:$0x10200] =	vst v63  }
0x154: {  	v3 =	vld [tilespmem:$0x1D0];
	_ =	sdelay $0x4  }
0x155: {  	v61 =	vshll.u32 v3, $0x1  }
0x156: {  	v3 =	vand.u32 $0x7, v3;
	v4 =	vand.u32 $0xFFFFFFF0, v61  }
0x157: {  	v3 =	vor.u32 v3, v4  }
0x158: {  	v4 =	vperm.xlane v3, v0;
	_ =	sdelay $0x1  }
0x159: {  	v3 =	vperm.xlane v3, v2;
	v4 =	vadd.s32 v1, v4;
	_ =	sdelay $0x1  }
0x15a: {  	v3 =	vadd.s32 v1, v3;
	_ =	sdelay $0x1  }
0x15b: {  	s17 =	simm.s32 $0xD200  }
0x15c: {  	[tilespmem:s17], [sflag:$0x2] =	stream.indirect_vreg.gather [hbm4b:s2+s3], $0x80, v4, vm0, $0xb8;
	[tilespmem:$0x10200] =	vst v63  }
0x15d: {  	s17 =	simm.s32 $0xDA00  }
0x15e: {  	[tilespmem:s17], [sflag:$0x2] =	stream.indirect_vreg.gather [hbm4b:s2+s3], $0x80, v3, vm0, $0xb8;
	[tilespmem:$0x10200] =	vst v63  }
0x15f: {  	v3 =	vld [tilespmem:$0x1E0];
	_ =	sdelay $0x4  }
0x160: {  	v62 =	vshll.u32 v3, $0x1  }
0x161: {  	v3 =	vand.u32 $0x7, v3;
	v4 =	vand.u32 $0xFFFFFFF0, v62  }
0x162: {  	v3 =	vor.u32 v3, v4  }
0x163: {  	v4 =	vperm.xlane v3, v0;
	_ =	sdelay $0x1  }
0x164: {  	v3 =	vperm.xlane v3, v2;
	v4 =	vadd.s32 v1, v4;
	_ =	sdelay $0x1  }
0x165: {  	v3 =	vadd.s32 v1, v3;
	_ =	sdelay $0x1  }
0x166: {  	s17 =	simm.s32 $0xE200  }
0x167: {  	[tilespmem:s17], [sflag:$0x2] =	stream.indirect_vreg.gather [hbm4b:s2+s3], $0x80, v4, vm0, $0xb8;
	[tilespmem:$0x10200] =	vst v63  }
0x168: {  	s17 =	simm.s32 $0xEA00  }
0x169: {  	[tilespmem:s17], [sflag:$0x2] =	stream.indirect_vreg.gather [hbm4b:s2+s3], $0x80, v3, vm0, $0xb8;
	[tilespmem:$0x10200] =	vst v63  }
0x16a: {  	v3 =	vld [tilespmem:$0x1F0];
	_ =	sdelay $0x4  }
0x16b: {  	v63 =	vshll.u32 v3, $0x1  }
0x16c: {  	v3 =	vand.u32 $0x7, v3;
	v4 =	vand.u32 $0xFFFFFFF0, v63  }
0x16d: {  	v3 =	vor.u32 v3, v4  }
0x16e: {  	v4 =	vperm.xlane v3, v0;
	_ =	sdelay $0x1  }
0x16f: {  	v3 =	vperm.xlane v3, v2;
	v4 =	vadd.s32 v1, v4;
	_ =	sdelay $0x1  }
0x170: {  	v3 =	vadd.s32 v1, v3;
	_ =	sdelay $0x1  }
0x171: {  	s17 =	simm.s32 $0xF200  }
0x172: {  	[tilespmem:s17], [sflag:$0x2] =	stream.indirect_vreg.gather [hbm4b:s2+s3], $0x80, v4, vm0, $0xb8;
	[tilespmem:$0x10200] =	vst v63  }
0x173: {  	s17 =	simm.s32 $0xFA00  }
0x174: {  	[tilespmem:s17], [sflag:$0x2] =	stream.indirect_vreg.gather [hbm4b:s2+s3], $0x80, v3, vm0, $0xb8;
	[tilespmem:$0x10200] =	vst v63  }
0x175: {  	_ =	swait.ge [sflag:s0], $0x8000  }
0x176: {  	[sflag:s0] =	ssyncset.done $0x0  }
0x177: {  	s14 =	simm.s32 $0x200;
	s1 =	rddreg [dreg:$0x5];
	[sflag:s0] =	ssyncadd.s32 $0xFFFF8000  }
0x178: {  	[hbm4b:s1+s3] =	stream.linear.scatter [tilespmem:s14], [sflag:$0x3], $0x8000, $0x38;
	[tilespmem:$0x10200] =	vst v63  }
0x179: {  	_ =	swait.ge [sflag:s7], $0x8000  }
0x17a: {  	[sflag:s7] =	ssyncset.done $0x0  }
0x17b: {  	[sflag:s7] =	ssyncadd.s32 $0xFFFF8000  }
0x17c: {  	_ =	swait.ge [sflag:s8], $0x8000  }
0x17d: {  	p0 =	sne.s32 s6, $0x1;
	[sflag:s8] =	ssyncset.done $0x0  }
.Ltmp0:
0x17e: {  	s14 =	rddreg [dreg:$0x6];
	[sflag:s8] =	ssyncadd.s32 $0xFFFF8000;
	(pc) =	sbr.rel @p0 .LBB2_1-.Ltmp0, $4  }
0x17f: {  	[hbm4b:s14+s3] =	stream.linear.scatter [tilespmem:s5], [sflag:$0x3], $0x8000, $0x38;
	[tilespmem:$0x10200] =	vst v63  }
0x180: {  	_ =	swait.ge [sflag:s7], $0x8000  }
0x181: {  	[sflag:s7] =	ssyncset.done $0x0  }
0x182: {  	s6 =	sadd.s32 $0xFFFFFFFF, s6;
	[sflag:s7] =	ssyncadd.s32 $0xFFFF8000  }
0x183: {  	_ =	sfence.sel $0x180000  }
0x184: {  	[bflag:$0x0] =	sbarrier.arrive $0xFFFF  }
0x185: {  	_ =	strace $0x90000047  }
0x186: {  	s0 =	stileid.u32;
	[bflag:$0x2] =	sbarrier.arrive $0xFFFF  }
0x187: {  	p0 =	sne.s32 s0, $0x0;
	s0 =	rddreg [dreg:$0x2]  }
0x188: {  	s0 =	sadd.s32 @!p0 $0x100000, s0  }
0x189: {  	[sflag:s0] =	ssyncadd.tile.s32 @!p0 $0x1;
	_ =	shalt  }
.Lfunc_end2:
_tile_overlayer_lowered:
.L_overlay_start_2:
0x18a: {  	(tag) =	ssettag $0x2  }
0x18b: {  	s0 =	rddreg [dreg:$0x0];
	s2 =	stileid.u32  }
0x18c: {  	s1 =	rddreg [dreg:$0x1];
	p0 =	sne.s32 s2, $0x0  }
0x18d: {  	s3 =	rddreg [dreg:$0x2];
	[bflag:$0x3] =	sbarrier.arrive $0xFFFF;
	s2 =	simm.s32 @!p0 $0x1C03  }
0x18e: {  	[timem:s3], [sflag:s2] =	dma.local @!p0 [hbm:s0], s1  }
0x18f: {  	s0 =	simm.s32 @!p0 $0x3  }
0x190: {  	_ =	swait.ge @!p0 [sflag:s0], s1  }
0x191: {  	s1 =	ssub.s32 @!p0 $0x0, s1;
	[sflag:s0] =	ssyncset.done @!p0 $0x0  }
0x192: {  	[sflag:s0] =	ssyncadd.s32 @!p0 s1  }
0x193: {  	[bflag:$0x3] =	sbarrier.arrive $0xFFFF  }
0x194: {  	_ =	shalt  }

</sc_bundles>
